<compile_context>
chip_gen: v7x
topology: tpu7x:2x2x1
jax: 0.10.2.dev20260603
libtpu: 0.0.44.dev20260713+nightly
codegen_flags: <defaults>
</compile_context>

<pallas_src>
import functools

import jax
import jax.numpy as jnp
from jax import lax
from jax.experimental import pallas as pl
from jax.experimental.pallas import tpu as pltpu
from jax.experimental.pallas import tpu_sc as plsc

NUM_TOKENS = 1000
ROW_DIM = 18432
BATCH = 1024
PRE_SEQ_LEN = 20

B = BATCH * PRE_SEQ_LEN
NC, NS = 2, 16
NW = NC * NS
BPW = B // NW
GL = 16
NG = BPW // GL

_mesh = plsc.VectorSubcoreMesh(core_axis_name="c", subcore_axis_name="s")


@functools.partial(
    pl.kernel,
    out_type=jax.ShapeDtypeStruct((B, ROW_DIM), jnp.float32),
    mesh=_mesh,
    scratch_types=[
        pltpu.VMEM((BPW, 1), jnp.int32),
        pltpu.VMEM((BPW,), jnp.int32),
        pltpu.VMEM((BPW,), jnp.int32),
        pltpu.VMEM((1, ROW_DIM), jnp.float32),
        pltpu.SemaphoreType.DMA,
    ],
)
def _gather_rows(vals2_hbm, vals1_hbm, dsts_hbm, table_hbm, out_hbm,
                 vals2_v, vals1_v, dsts_v, row_v, sem):
    wid = lax.axis_index("s") * NC + lax.axis_index("c")
    pltpu.sync_copy(vals2_hbm.at[wid], vals2_v)
    pltpu.sync_copy(vals1_hbm.at[wid], vals1_v)
    pltpu.sync_copy(dsts_hbm.at[wid], dsts_v)

    def group(g, vprev):
        vv = vals1_v[pl.ds(g * GL, GL)]
        dd = dsts_v[pl.ds(g * GL, GL)]
        for k in range(GL):
            v = jnp.squeeze(lax.slice(vv, (k,), (k + 1,)))
            d = jnp.squeeze(lax.slice(dd, (k,), (k + 1,)))

            @pl.when(v != vprev)
            def _():
                pltpu.async_copy(table_hbm.at[vals2_v.at[g * GL + k]],
                                 row_v, sem).wait()

            pltpu.sync_copy(row_v, out_hbm.at[pl.ds(d, 1)])
            vprev = v
        return vprev

    lax.fori_loop(0, NG, group, jnp.int32(-1))


def kernel(prefix, embedding):
    flat = prefix.T.reshape(-1).astype(jnp.int32)
    keys = (flat << 15) | jax.lax.iota(jnp.int32, B)
    skeys = jnp.sort(keys)
    vals = skeys >> 15
    dsts = skeys & 0x7FFF
    out = _gather_rows(
        vals.reshape(NW, BPW, 1),
        vals.reshape(NW, BPW),
        dsts.reshape(NW, BPW),
        embedding,
    )
    return (out.reshape(PRE_SEQ_LEN, BATCH, ROW_DIM).transpose(1, 0, 2))

# --- scband reference (transcript-rebuilt; emitter-appended) ---
"""Pipeline reference for scband-prefix-encoder-71296457113679 (READ-ONLY COPY).

The authoritative reference and input builder live on the scoring server;
editing this copy changes nothing except your own understanding.
"""

import jax, jax.numpy as jnp
import numpy as np

HIDDEN_SIZE = 768
NUM_LAYERS = 12
NUM_TOKENS = 1000
ROW_DIM = 2 * NUM_LAYERS * HIDDEN_SIZE  # 18432
BATCH = 1024
PRE_SEQ_LEN = 20


def setup_inputs(seed: int = 0) -> dict:
    key = jax.random.key(seed)
    k_idx, k_emb = jax.random.split(key)
    prefix = jax.random.randint(k_idx, (BATCH, PRE_SEQ_LEN), 0, NUM_TOKENS, dtype=jnp.int64 if jax.config.jax_enable_x64 else jnp.int32)
    embedding = jax.random.normal(k_emb, (NUM_TOKENS, ROW_DIM), dtype=jnp.float32) * 0.02
    return {"prefix": prefix, "embedding": embedding}


def reference(prefix, embedding):
    # PrefixEncoder with prefix_projection=False: a single embedding lookup
    # Output shape: (batch, pre_seq_len, 2 * num_hidden_layers * hidden_size)
    past_key_values = jnp.take(embedding, prefix, axis=0)
    return past_key_values

if __name__ == "__main__":
    import jax
    _d = setup_inputs()
    print(jax.jit(kernel)(*tuple(_d.values())))

</pallas_src>

<mosaic_0001>
#map = affine_map<(d0, d1) -> (0, 0, 0)>
#map1 = affine_map<(d0, d1) -> (0, 0)>
module attributes {stable_mosaic.version = 14 : i64} {
  func.func @_gather_rows(%arg0: i32, %arg1: i32, %arg2: memref<32x640x1xi32, #tpu.memory_space<hbm>>, %arg3: memref<32x640xi32, #tpu.memory_space<hbm>>, %arg4: memref<32x640xi32, #tpu.memory_space<hbm>>, %arg5: memref<1000x18432xf32, #tpu.memory_space<hbm>>, %arg6: memref<20480x18432xf32, #tpu.memory_space<hbm>>, %arg7: memref<640x1xi32, #tpu.memory_space<vmem>>, %arg8: memref<640xi32, #tpu.memory_space<vmem>>, %arg9: memref<640xi32, #tpu.memory_space<vmem>>, %arg10: memref<1x18432xf32, #tpu.memory_space<vmem>>, %arg11: memref<!tpu.dma_semaphore, #tpu.memory_space<semaphore_mem>>) attributes {dimension_semantics = [#tpu.dimension_semantics<core_parallel>, #tpu.dimension_semantics<subcore_parallel>], iteration_bounds = array<i64: 2, 16>, scalar_prefetch = 0 : i64, scratch_operands = 5 : i64, tpu.core_type = #tpu.core_type<sc_vector_subcore>, window_params = [{transform_indices = #map}, {transform_indices = #map1}, {transform_indices = #map1}, {transform_indices = #map1}, {transform_indices = #map1}]} {
    %mul3A = arith.constant 2 : i32
    %mul3A_0 = arith.muli %arg1, %mul3A : i32
    %add3A = arith.addi %mul3A_0, %arg0 : i32
    "tpu.region"() ({
      %run_scoped3A = tpu.sem_alloc : memref<!tpu.dma_semaphore, #tpu.memory_space<semaphore_mem>>
      %dma_start3A = arith.constant 0 : i32
      %dma_start3A_7 = arith.constant 0 : i32
      %dma_start3A_8 = tpu.memref_slice %arg2[%add3A, %dma_start3A, %dma_start3A_7] : memref<32x640x1xi32, #tpu.memory_space<hbm>> -> memref<1x640x1xi32, #tpu.memory_space<hbm>>
      %dma_start3A_9 = tpu.memref_squeeze %dma_start3A_8 : memref<1x640x1xi32, #tpu.memory_space<hbm>> -> memref<640x1xi32, #tpu.memory_space<hbm>>
      %dma_start3A_10 = arith.constant 0 : i32
      %dma_start3A_11 = arith.constant 0 : i32
      %dma_start3A_12 = tpu.memref_slice %arg2[%add3A, %dma_start3A_10, %dma_start3A_11] : memref<32x640x1xi32, #tpu.memory_space<hbm>> -> memref<1x640x1xi32, #tpu.memory_space<hbm>>
      %dma_start3A_13 = tpu.memref_squeeze %dma_start3A_12 : memref<1x640x1xi32, #tpu.memory_space<hbm>> -> memref<640x1xi32, #tpu.memory_space<hbm>>
      tpu.enqueue_dma source(%dma_start3A_13 : memref<640x1xi32, #tpu.memory_space<hbm>>) target(%arg7 : memref<640x1xi32, #tpu.memory_space<vmem>>) target_semaphore(%run_scoped3A : memref<!tpu.dma_semaphore, #tpu.memory_space<semaphore_mem>>)
      %dma_wait3A = arith.constant 0 : i32
      %dma_wait3A_14 = arith.constant 0 : i32
      %dma_wait3A_15 = tpu.memref_slice %arg2[%add3A, %dma_wait3A, %dma_wait3A_14] : memref<32x640x1xi32, #tpu.memory_space<hbm>> -> memref<1x640x1xi32, #tpu.memory_space<hbm>>
      %dma_wait3A_16 = tpu.memref_squeeze %dma_wait3A_15 : memref<1x640x1xi32, #tpu.memory_space<hbm>> -> memref<640x1xi32, #tpu.memory_space<hbm>>
      %dma_wait3A_17 = arith.constant 0 : i32
      %dma_wait3A_18 = arith.constant 0 : i32
      %dma_wait3A_19 = tpu.memref_slice %arg2[%add3A, %dma_wait3A_17, %dma_wait3A_18] : memref<32x640x1xi32, #tpu.memory_space<hbm>> -> memref<1x640x1xi32, #tpu.memory_space<hbm>>
      %dma_wait3A_20 = tpu.memref_squeeze %dma_wait3A_19 : memref<1x640x1xi32, #tpu.memory_space<hbm>> -> memref<640x1xi32, #tpu.memory_space<hbm>>
      tpu.wait_dma2 semaphore(%run_scoped3A : memref<!tpu.dma_semaphore, #tpu.memory_space<semaphore_mem>>) src(%dma_wait3A_20 : memref<640x1xi32, #tpu.memory_space<hbm>>) dst(%arg7 : memref<640x1xi32, #tpu.memory_space<vmem>>)
      tpu.yield
    }) : () -> ()
    "tpu.region"() ({
      %run_scoped3A = tpu.sem_alloc : memref<!tpu.dma_semaphore, #tpu.memory_space<semaphore_mem>>
      %dma_start3A = arith.constant 0 : i32
      %dma_start3A_7 = tpu.memref_slice %arg3[%add3A, %dma_start3A] : memref<32x640xi32, #tpu.memory_space<hbm>> -> memref<1x640xi32, #tpu.memory_space<hbm>>
      %dma_start3A_8 = tpu.memref_squeeze %dma_start3A_7 : memref<1x640xi32, #tpu.memory_space<hbm>> -> memref<640xi32, #tpu.memory_space<hbm>>
      %dma_start3A_9 = arith.constant 0 : i32
      %dma_start3A_10 = tpu.memref_slice %arg3[%add3A, %dma_start3A_9] : memref<32x640xi32, #tpu.memory_space<hbm>> -> memref<1x640xi32, #tpu.memory_space<hbm>>
      %dma_start3A_11 = tpu.memref_squeeze %dma_start3A_10 : memref<1x640xi32, #tpu.memory_space<hbm>> -> memref<640xi32, #tpu.memory_space<hbm>>
      tpu.enqueue_dma source(%dma_start3A_11 : memref<640xi32, #tpu.memory_space<hbm>>) target(%arg8 : memref<640xi32, #tpu.memory_space<vmem>>) target_semaphore(%run_scoped3A : memref<!tpu.dma_semaphore, #tpu.memory_space<semaphore_mem>>)
      %dma_wait3A = arith.constant 0 : i32
      %dma_wait3A_12 = tpu.memref_slice %arg3[%add3A, %dma_wait3A] : memref<32x640xi32, #tpu.memory_space<hbm>> -> memref<1x640xi32, #tpu.memory_space<hbm>>
      %dma_wait3A_13 = tpu.memref_squeeze %dma_wait3A_12 : memref<1x640xi32, #tpu.memory_space<hbm>> -> memref<640xi32, #tpu.memory_space<hbm>>
      %dma_wait3A_14 = arith.constant 0 : i32
      %dma_wait3A_15 = tpu.memref_slice %arg3[%add3A, %dma_wait3A_14] : memref<32x640xi32, #tpu.memory_space<hbm>> -> memref<1x640xi32, #tpu.memory_space<hbm>>
      %dma_wait3A_16 = tpu.memref_squeeze %dma_wait3A_15 : memref<1x640xi32, #tpu.memory_space<hbm>> -> memref<640xi32, #tpu.memory_space<hbm>>
      tpu.wait_dma2 semaphore(%run_scoped3A : memref<!tpu.dma_semaphore, #tpu.memory_space<semaphore_mem>>) src(%dma_wait3A_16 : memref<640xi32, #tpu.memory_space<hbm>>) dst(%arg8 : memref<640xi32, #tpu.memory_space<vmem>>)
      tpu.yield
    }) : () -> ()
    "tpu.region"() ({
      %run_scoped3A = tpu.sem_alloc : memref<!tpu.dma_semaphore, #tpu.memory_space<semaphore_mem>>
      %dma_start3A = arith.constant 0 : i32
      %dma_start3A_7 = tpu.memref_slice %arg4[%add3A, %dma_start3A] : memref<32x640xi32, #tpu.memory_space<hbm>> -> memref<1x640xi32, #tpu.memory_space<hbm>>
      %dma_start3A_8 = tpu.memref_squeeze %dma_start3A_7 : memref<1x640xi32, #tpu.memory_space<hbm>> -> memref<640xi32, #tpu.memory_space<hbm>>
      %dma_start3A_9 = arith.constant 0 : i32
      %dma_start3A_10 = tpu.memref_slice %arg4[%add3A, %dma_start3A_9] : memref<32x640xi32, #tpu.memory_space<hbm>> -> memref<1x640xi32, #tpu.memory_space<hbm>>
      %dma_start3A_11 = tpu.memref_squeeze %dma_start3A_10 : memref<1x640xi32, #tpu.memory_space<hbm>> -> memref<640xi32, #tpu.memory_space<hbm>>
      tpu.enqueue_dma source(%dma_start3A_11 : memref<640xi32, #tpu.memory_space<hbm>>) target(%arg9 : memref<640xi32, #tpu.memory_space<vmem>>) target_semaphore(%run_scoped3A : memref<!tpu.dma_semaphore, #tpu.memory_space<semaphore_mem>>)
      %dma_wait3A = arith.constant 0 : i32
      %dma_wait3A_12 = tpu.memref_slice %arg4[%add3A, %dma_wait3A] : memref<32x640xi32, #tpu.memory_space<hbm>> -> memref<1x640xi32, #tpu.memory_space<hbm>>
      %dma_wait3A_13 = tpu.memref_squeeze %dma_wait3A_12 : memref<1x640xi32, #tpu.memory_space<hbm>> -> memref<640xi32, #tpu.memory_space<hbm>>
      %dma_wait3A_14 = arith.constant 0 : i32
      %dma_wait3A_15 = tpu.memref_slice %arg4[%add3A, %dma_wait3A_14] : memref<32x640xi32, #tpu.memory_space<hbm>> -> memref<1x640xi32, #tpu.memory_space<hbm>>
      %dma_wait3A_16 = tpu.memref_squeeze %dma_wait3A_15 : memref<1x640xi32, #tpu.memory_space<hbm>> -> memref<640xi32, #tpu.memory_space<hbm>>
      tpu.wait_dma2 semaphore(%run_scoped3A : memref<!tpu.dma_semaphore, #tpu.memory_space<semaphore_mem>>) src(%dma_wait3A_16 : memref<640xi32, #tpu.memory_space<hbm>>) dst(%arg9 : memref<640xi32, #tpu.memory_space<vmem>>)
      tpu.yield
    }) : () -> ()
    %scan3A = arith.constant -1 : i32
    %scan3A_1 = arith.constant 0 : i32
    %scan3A_2 = arith.constant 40 : i32
    %scan3A_3 = arith.addi %scan3A_1, %scan3A_2 : i32
    %scan3A_4 = arith.constant 1 : i32
    %scan3A_5 = scf.for %scan3A_7 = %scan3A_1 to %scan3A_3 step %scan3A_4 iter_args(%scan3A_8 = %scan3A) -> (i32)  : i32 {
      %mul3A_9 = arith.constant 16 : i32
      %mul3A_10 = arith.muli %scan3A_7, %mul3A_9 : i32
      %get3A = arith.index_cast %mul3A_10 : i32 to index
      %get3A_11 = tpu.vector_load %arg8[%get3A] {strides = array<i32>} : memref<640xi32, #tpu.memory_space<vmem>>, vector<16xi32>,
      %get3A_12 = vector.shape_cast %get3A_11 : vector<16xi32> to vector<16xi32>
      %mul3A_13 = arith.constant 16 : i32
      %mul3A_14 = arith.muli %scan3A_7, %mul3A_13 : i32
      %get3A_15 = arith.index_cast %mul3A_14 : i32 to index
      %get3A_16 = tpu.vector_load %arg9[%get3A_15] {strides = array<i32>} : memref<640xi32, #tpu.memory_space<vmem>>, vector<16xi32>,
      %get3A_17 = vector.shape_cast %get3A_16 : vector<16xi32> to vector<16xi32>
      %slice3A = vector.extract_strided_slice %get3A_12 {offsets = [0], sizes = [1], strides = [1]} : vector<16xi32> to vector<1xi32>
      %squeeze3A = vector.extract %slice3A[0] : i32 from vector<1xi32>
      %slice3A_18 = vector.extract_strided_slice %get3A_17 {offsets = [0], sizes = [1], strides = [1]} : vector<16xi32> to vector<1xi32>
      %squeeze3A_19 = vector.extract %slice3A_18[0] : i32 from vector<1xi32>
      %ne3A = arith.cmpi ne, %squeeze3A, %scan3A_8 : i32
      %convert_element_type3A = arith.extui %ne3A : i1 to i32
      %cond3A = arith.constant 0 : i32
      %cond3A_20 = arith.cmpi ne, %convert_element_type3A, %cond3A : i32
      scf.if %cond3A_20 {
        %mul3A_141 = arith.constant 16 : i32
        %mul3A_142 = arith.muli %scan3A_7, %mul3A_141 : i32
        %add3A_143 = arith.constant 0 : i32
        %add3A_144 = arith.addi %mul3A_142, %add3A_143 : i32
        %dma_start3A = arith.constant 0 : i32
        %dma_start3A_145 = tpu.memref_slice %arg7[%add3A_144, %dma_start3A] : memref<640x1xi32, #tpu.memory_space<vmem>> -> memref<1x1xi32, #tpu.memory_space<vmem>>
        %dma_start3A_146 = tpu.memref_squeeze %dma_start3A_145 : memref<1x1xi32, #tpu.memory_space<vmem>> -> memref<1xi32, #tpu.memory_space<vmem>>
        %dma_start3A_147 = arith.constant 0 : i32
        %dma_start3A_148 = arith.constant 0 : i32
        %dma_start3A_149 = tpu.memref_slice %arg5[%dma_start3A_147, %dma_start3A_148] : memref<1000x18432xf32, #tpu.memory_space<hbm>> -> memref<1000x18432xf32, #tpu.memory_space<hbm>>
        tpu.enqueue_indirect_dma source(%dma_start3A_149 : memref<1000x18432xf32, #tpu.memory_space<hbm>>) target(%arg10 : memref<1x18432xf32, #tpu.memory_space<vmem>>) offsets(%dma_start3A_146 : memref<1xi32, #tpu.memory_space<vmem>>) semaphore(%arg11 : memref<!tpu.dma_semaphore, #tpu.memory_space<semaphore_mem>>)
        %dma_wait3A = arith.constant 0 : i32
        %dma_wait3A_150 = tpu.memref_slice %arg7[%add3A_144, %dma_wait3A] : memref<640x1xi32, #tpu.memory_space<vmem>> -> memref<1x1xi32, #tpu.memory_space<vmem>>
        %dma_wait3A_151 = tpu.memref_squeeze %dma_wait3A_150 : memref<1x1xi32, #tpu.memory_space<vmem>> -> memref<1xi32, #tpu.memory_space<vmem>>
        %dma_wait3A_152 = arith.constant 0 : i32
        %dma_wait3A_153 = arith.constant 0 : i32
        %dma_wait3A_154 = tpu.memref_slice %arg5[%dma_wait3A_152, %dma_wait3A_153] : memref<1000x18432xf32, #tpu.memory_space<hbm>> -> memref<1000x18432xf32, #tpu.memory_space<hbm>>
        tpu.wait_indirect_dma semaphore(%arg11 : memref<!tpu.dma_semaphore, #tpu.memory_space<semaphore_mem>>) src(%dma_wait3A_154 : memref<1000x18432xf32, #tpu.memory_space<hbm>>) dst(%arg10 : memref<1x18432xf32, #tpu.memory_space<vmem>>)
      } else {
      }
      "tpu.region"() ({
        %run_scoped3A = tpu.sem_alloc : memref<!tpu.dma_semaphore, #tpu.memory_space<semaphore_mem>>
        %dma_start3A = arith.constant 0 : i32
        %dma_start3A_141 = tpu.memref_slice %arg6[%squeeze3A_19, %dma_start3A] : memref<20480x18432xf32, #tpu.memory_space<hbm>> -> memref<1x18432xf32, #tpu.memory_space<hbm>>
        %dma_start3A_142 = arith.constant 0 : i32
        %dma_start3A_143 = tpu.memref_slice %arg6[%squeeze3A_19, %dma_start3A_142] : memref<20480x18432xf32, #tpu.memory_space<hbm>> -> memref<1x18432xf32, #tpu.memory_space<hbm>>
        tpu.enqueue_dma source(%arg10 : memref<1x18432xf32, #tpu.memory_space<vmem>>) target(%dma_start3A_143 : memref<1x18432xf32, #tpu.memory_space<hbm>>) target_semaphore(%run_scoped3A : memref<!tpu.dma_semaphore, #tpu.memory_space<semaphore_mem>>)
        %dma_wait3A = arith.constant 0 : i32
        %dma_wait3A_144 = tpu.memref_slice %arg6[%squeeze3A_19, %dma_wait3A] : memref<20480x18432xf32, #tpu.memory_space<hbm>> -> memref<1x18432xf32, #tpu.memory_space<hbm>>
        %dma_wait3A_145 = arith.constant 0 : i32
        %dma_wait3A_146 = tpu.memref_slice %arg6[%squeeze3A_19, %dma_wait3A_145] : memref<20480x18432xf32, #tpu.memory_space<hbm>> -> memref<1x18432xf32, #tpu.memory_space<hbm>>
        tpu.wait_dma2 semaphore(%run_scoped3A : memref<!tpu.dma_semaphore, #tpu.memory_space<semaphore_mem>>) src(%arg10 : memref<1x18432xf32, #tpu.memory_space<vmem>>) dst(%dma_wait3A_146 : memref<1x18432xf32, #tpu.memory_space<hbm>>)
        tpu.yield
      }) : () -> ()
      %slice3A_21 = vector.extract_strided_slice %get3A_12 {offsets = [1], sizes = [1], strides = [1]} : vector<16xi32> to vector<1xi32>
      %squeeze3A_22 = vector.extract %slice3A_21[0] : i32 from vector<1xi32>
      %slice3A_23 = vector.extract_strided_slice %get3A_17 {offsets = [1], sizes = [1], strides = [1]} : vector<16xi32> to vector<1xi32>
      %squeeze3A_24 = vector.extract %slice3A_23[0] : i32 from vector<1xi32>
      %ne3A_25 = arith.cmpi ne, %squeeze3A_22, %squeeze3A : i32
      %convert_element_type3A_26 = arith.extui %ne3A_25 : i1 to i32
      %cond3A_27 = arith.constant 0 : i32
      %cond3A_28 = arith.cmpi ne, %convert_element_type3A_26, %cond3A_27 : i32
      scf.if %cond3A_28 {
        %mul3A_141 = arith.constant 16 : i32
        %mul3A_142 = arith.muli %scan3A_7, %mul3A_141 : i32
        %add3A_143 = arith.constant 1 : i32
        %add3A_144 = arith.addi %mul3A_142, %add3A_143 : i32
        %dma_start3A = arith.constant 0 : i32
        %dma_start3A_145 = tpu.memref_slice %arg7[%add3A_144, %dma_start3A] : memref<640x1xi32, #tpu.memory_space<vmem>> -> memref<1x1xi32, #tpu.memory_space<vmem>>
        %dma_start3A_146 = tpu.memref_squeeze %dma_start3A_145 : memref<1x1xi32, #tpu.memory_space<vmem>> -> memref<1xi32, #tpu.memory_space<vmem>>
        %dma_start3A_147 = arith.constant 0 : i32
        %dma_start3A_148 = arith.constant 0 : i32
        %dma_start3A_149 = tpu.memref_slice %arg5[%dma_start3A_147, %dma_start3A_148] : memref<1000x18432xf32, #tpu.memory_space<hbm>> -> memref<1000x18432xf32, #tpu.memory_space<hbm>>
        tpu.enqueue_indirect_dma source(%dma_start3A_149 : memref<1000x18432xf32, #tpu.memory_space<hbm>>) target(%arg10 : memref<1x18432xf32, #tpu.memory_space<vmem>>) offsets(%dma_start3A_146 : memref<1xi32, #tpu.memory_space<vmem>>) semaphore(%arg11 : memref<!tpu.dma_semaphore, #tpu.memory_space<semaphore_mem>>)
        %dma_wait3A = arith.constant 0 : i32
        %dma_wait3A_150 = tpu.memref_slice %arg7[%add3A_144, %dma_wait3A] : memref<640x1xi32, #tpu.memory_space<vmem>> -> memref<1x1xi32, #tpu.memory_space<vmem>>
        %dma_wait3A_151 = tpu.memref_squeeze %dma_wait3A_150 : memref<1x1xi32, #tpu.memory_space<vmem>> -> memref<1xi32, #tpu.memory_space<vmem>>
        %dma_wait3A_152 = arith.constant 0 : i32
        %dma_wait3A_153 = arith.constant 0 : i32
        %dma_wait3A_154 = tpu.memref_slice %arg5[%dma_wait3A_152, %dma_wait3A_153] : memref<1000x18432xf32, #tpu.memory_space<hbm>> -> memref<1000x18432xf32, #tpu.memory_space<hbm>>
        tpu.wait_indirect_dma semaphore(%arg11 : memref<!tpu.dma_semaphore, #tpu.memory_space<semaphore_mem>>) src(%dma_wait3A_154 : memref<1000x18432xf32, #tpu.memory_space<hbm>>) dst(%arg10 : memref<1x18432xf32, #tpu.memory_space<vmem>>)
      } else {
      }
      "tpu.region"() ({
        %run_scoped3A = tpu.sem_alloc : memref<!tpu.dma_semaphore, #tpu.memory_space<semaphore_mem>>
        %dma_start3A = arith.constant 0 : i32
        %dma_start3A_141 = tpu.memref_slice %arg6[%squeeze3A_24, %dma_start3A] : memref<20480x18432xf32, #tpu.memory_space<hbm>> -> memref<1x18432xf32, #tpu.memory_space<hbm>>
        %dma_start3A_142 = arith.constant 0 : i32
        %dma_start3A_143 = tpu.memref_slice %arg6[%squeeze3A_24, %dma_start3A_142] : memref<20480x18432xf32, #tpu.memory_space<hbm>> -> memref<1x18432xf32, #tpu.memory_space<hbm>>
        tpu.enqueue_dma source(%arg10 : memref<1x18432xf32, #tpu.memory_space<vmem>>) target(%dma_start3A_143 : memref<1x18432xf32, #tpu.memory_space<hbm>>) target_semaphore(%run_scoped3A : memref<!tpu.dma_semaphore, #tpu.memory_space<semaphore_mem>>)
        %dma_wait3A = arith.constant 0 : i32
        %dma_wait3A_144 = tpu.memref_slice %arg6[%squeeze3A_24, %dma_wait3A] : memref<20480x18432xf32, #tpu.memory_space<hbm>> -> memref<1x18432xf32, #tpu.memory_space<hbm>>
        %dma_wait3A_145 = arith.constant 0 : i32
        %dma_wait3A_146 = tpu.memref_slice %arg6[%squeeze3A_24, %dma_wait3A_145] : memref<20480x18432xf32, #tpu.memory_space<hbm>> -> memref<1x18432xf32, #tpu.memory_space<hbm>>
        tpu.wait_dma2 semaphore(%run_scoped3A : memref<!tpu.dma_semaphore, #tpu.memory_space<semaphore_mem>>) src(%arg10 : memref<1x18432xf32, #tpu.memory_space<vmem>>) dst(%dma_wait3A_146 : memref<1x18432xf32, #tpu.memory_space<hbm>>)
        tpu.yield
      }) : () -> ()
      %slice3A_29 = vector.extract_strided_slice %get3A_12 {offsets = [2], sizes = [1], strides = [1]} : vector<16xi32> to vector<1xi32>
      %squeeze3A_30 = vector.extract %slice3A_29[0] : i32 from vector<1xi32>
      %slice3A_31 = vector.extract_strided_slice %get3A_17 {offsets = [2], sizes = [1], strides = [1]} : vector<16xi32> to vector<1xi32>
      %squeeze3A_32 = vector.extract %slice3A_31[0] : i32 from vector<1xi32>
      %ne3A_33 = arith.cmpi ne, %squeeze3A_30, %squeeze3A_22 : i32
      %convert_element_type3A_34 = arith.extui %ne3A_33 : i1 to i32
      %cond3A_35 = arith.constant 0 : i32
      %cond3A_36 = arith.cmpi ne, %convert_element_type3A_34, %cond3A_35 : i32
      scf.if %cond3A_36 {
        %mul3A_141 = arith.constant 16 : i32
        %mul3A_142 = arith.muli %scan3A_7, %mul3A_141 : i32
        %add3A_143 = arith.constant 2 : i32
        %add3A_144 = arith.addi %mul3A_142, %add3A_143 : i32
        %dma_start3A = arith.constant 0 : i32
        %dma_start3A_145 = tpu.memref_slice %arg7[%add3A_144, %dma_start3A] : memref<640x1xi32, #tpu.memory_space<vmem>> -> memref<1x1xi32, #tpu.memory_space<vmem>>
        %dma_start3A_146 = tpu.memref_squeeze %dma_start3A_145 : memref<1x1xi32, #tpu.memory_space<vmem>> -> memref<1xi32, #tpu.memory_space<vmem>>
        %dma_start3A_147 = arith.constant 0 : i32
        %dma_start3A_148 = arith.constant 0 : i32
        %dma_start3A_149 = tpu.memref_slice %arg5[%dma_start3A_147, %dma_start3A_148] : memref<1000x18432xf32, #tpu.memory_space<hbm>> -> memref<1000x18432xf32, #tpu.memory_space<hbm>>
        tpu.enqueue_indirect_dma source(%dma_start3A_149 : memref<1000x18432xf32, #tpu.memory_space<hbm>>) target(%arg10 : memref<1x18432xf32, #tpu.memory_space<vmem>>) offsets(%dma_start3A_146 : memref<1xi32, #tpu.memory_space<vmem>>) semaphore(%arg11 : memref<!tpu.dma_semaphore, #tpu.memory_space<semaphore_mem>>)
        %dma_wait3A = arith.constant 0 : i32
        %dma_wait3A_150 = tpu.memref_slice %arg7[%add3A_144, %dma_wait3A] : memref<640x1xi32, #tpu.memory_space<vmem>> -> memref<1x1xi32, #tpu.memory_space<vmem>>
        %dma_wait3A_151 = tpu.memref_squeeze %dma_wait3A_150 : memref<1x1xi32, #tpu.memory_space<vmem>> -> memref<1xi32, #tpu.memory_space<vmem>>
        %dma_wait3A_152 = arith.constant 0 : i32
        %dma_wait3A_153 = arith.constant 0 : i32
        %dma_wait3A_154 = tpu.memref_slice %arg5[%dma_wait3A_152, %dma_wait3A_153] : memref<1000x18432xf32, #tpu.memory_space<hbm>> -> memref<1000x18432xf32, #tpu.memory_space<hbm>>
        tpu.wait_indirect_dma semaphore(%arg11 : memref<!tpu.dma_semaphore, #tpu.memory_space<semaphore_mem>>) src(%dma_wait3A_154 : memref<1000x18432xf32, #tpu.memory_space<hbm>>) dst(%arg10 : memref<1x18432xf32, #tpu.memory_space<vmem>>)
      } else {
      }
      "tpu.region"() ({
        %run_scoped3A = tpu.sem_alloc : memref<!tpu.dma_semaphore, #tpu.memory_space<semaphore_mem>>
        %dma_start3A = arith.constant 0 : i32
        %dma_start3A_141 = tpu.memref_slice %arg6[%squeeze3A_32, %dma_start3A] : memref<20480x18432xf32, #tpu.memory_space<hbm>> -> memref<1x18432xf32, #tpu.memory_space<hbm>>
        %dma_start3A_142 = arith.constant 0 : i32
        %dma_start3A_143 = tpu.memref_slice %arg6[%squeeze3A_32, %dma_start3A_142] : memref<20480x18432xf32, #tpu.memory_space<hbm>> -> memref<1x18432xf32, #tpu.memory_space<hbm>>
        tpu.enqueue_dma source(%arg10 : memref<1x18432xf32, #tpu.memory_space<vmem>>) target(%dma_start3A_143 : memref<1x18432xf32, #tpu.memory_space<hbm>>) target_semaphore(%run_scoped3A : memref<!tpu.dma_semaphore, #tpu.memory_space<semaphore_mem>>)
        %dma_wait3A = arith.constant 0 : i32
        %dma_wait3A_144 = tpu.memref_slice %arg6[%squeeze3A_32, %dma_wait3A] : memref<20480x18432xf32, #tpu.memory_space<hbm>> -> memref<1x18432xf32, #tpu.memory_space<hbm>>
        %dma_wait3A_145 = arith.constant 0 : i32
        %dma_wait3A_146 = tpu.memref_slice %arg6[%squeeze3A_32, %dma_wait3A_145] : memref<20480x18432xf32, #tpu.memory_space<hbm>> -> memref<1x18432xf32, #tpu.memory_space<hbm>>
        tpu.wait_dma2 semaphore(%run_scoped3A : memref<!tpu.dma_semaphore, #tpu.memory_space<semaphore_mem>>) src(%arg10 : memref<1x18432xf32, #tpu.memory_space<vmem>>) dst(%dma_wait3A_146 : memref<1x18432xf32, #tpu.memory_space<hbm>>)
        tpu.yield
      }) : () -> ()
      %slice3A_37 = vector.extract_strided_slice %get3A_12 {offsets = [3], sizes = [1], strides = [1]} : vector<16xi32> to vector<1xi32>
      %squeeze3A_38 = vector.extract %slice3A_37[0] : i32 from vector<1xi32>
      %slice3A_39 = vector.extract_strided_slice %get3A_17 {offsets = [3], sizes = [1], strides = [1]} : vector<16xi32> to vector<1xi32>
      %squeeze3A_40 = vector.extract %slice3A_39[0] : i32 from vector<1xi32>
      %ne3A_41 = arith.cmpi ne, %squeeze3A_38, %squeeze3A_30 : i32
      %convert_element_type3A_42 = arith.extui %ne3A_41 : i1 to i32
      %cond3A_43 = arith.constant 0 : i32
      %cond3A_44 = arith.cmpi ne, %convert_element_type3A_42, %cond3A_43 : i32
      scf.if %cond3A_44 {
        %mul3A_141 = arith.constant 16 : i32
        %mul3A_142 = arith.muli %scan3A_7, %mul3A_141 : i32
        %add3A_143 = arith.constant 3 : i32
        %add3A_144 = arith.addi %mul3A_142, %add3A_143 : i32
        %dma_start3A = arith.constant 0 : i32
        %dma_start3A_145 = tpu.memref_slice %arg7[%add3A_144, %dma_start3A] : memref<640x1xi32, #tpu.memory_space<vmem>> -> memref<1x1xi32, #tpu.memory_space<vmem>>
        %dma_start3A_146 = tpu.memref_squeeze %dma_start3A_145 : memref<1x1xi32, #tpu.memory_space<vmem>> -> memref<1xi32, #tpu.memory_space<vmem>>
        %dma_start3A_147 = arith.constant 0 : i32
        %dma_start3A_148 = arith.constant 0 : i32
        %dma_start3A_149 = tpu.memref_slice %arg5[%dma_start3A_147, %dma_start3A_148] : memref<1000x18432xf32, #tpu.memory_space<hbm>> -> memref<1000x18432xf32, #tpu.memory_space<hbm>>
        tpu.enqueue_indirect_dma source(%dma_start3A_149 : memref<1000x18432xf32, #tpu.memory_space<hbm>>) target(%arg10 : memref<1x18432xf32, #tpu.memory_space<vmem>>) offsets(%dma_start3A_146 : memref<1xi32, #tpu.memory_space<vmem>>) semaphore(%arg11 : memref<!tpu.dma_semaphore, #tpu.memory_space<semaphore_mem>>)
        %dma_wait3A = arith.constant 0 : i32
        %dma_wait3A_150 = tpu.memref_slice %arg7[%add3A_144, %dma_wait3A] : memref<640x1xi32, #tpu.memory_space<vmem>> -> memref<1x1xi32, #tpu.memory_space<vmem>>
        %dma_wait3A_151 = tpu.memref_squeeze %dma_wait3A_150 : memref<1x1xi32, #tpu.memory_space<vmem>> -> memref<1xi32, #tpu.memory_space<vmem>>
        %dma_wait3A_152 = arith.constant 0 : i32
        %dma_wait3A_153 = arith.constant 0 : i32
        %dma_wait3A_154 = tpu.memref_slice %arg5[%dma_wait3A_152, %dma_wait3A_153] : memref<1000x18432xf32, #tpu.memory_space<hbm>> -> memref<1000x18432xf32, #tpu.memory_space<hbm>>
        tpu.wait_indirect_dma semaphore(%arg11 : memref<!tpu.dma_semaphore, #tpu.memory_space<semaphore_mem>>) src(%dma_wait3A_154 : memref<1000x18432xf32, #tpu.memory_space<hbm>>) dst(%arg10 : memref<1x18432xf32, #tpu.memory_space<vmem>>)
      } else {
      }
      "tpu.region"() ({
        %run_scoped3A = tpu.sem_alloc : memref<!tpu.dma_semaphore, #tpu.memory_space<semaphore_mem>>
        %dma_start3A = arith.constant 0 : i32
        %dma_start3A_141 = tpu.memref_slice %arg6[%squeeze3A_40, %dma_start3A] : memref<20480x18432xf32, #tpu.memory_space<hbm>> -> memref<1x18432xf32, #tpu.memory_space<hbm>>
        %dma_start3A_142 = arith.constant 0 : i32
        %dma_start3A_143 = tpu.memref_slice %arg6[%squeeze3A_40, %dma_start3A_142] : memref<20480x18432xf32, #tpu.memory_space<hbm>> -> memref<1x18432xf32, #tpu.memory_space<hbm>>
        tpu.enqueue_dma source(%arg10 : memref<1x18432xf32, #tpu.memory_space<vmem>>) target(%dma_start3A_143 : memref<1x18432xf32, #tpu.memory_space<hbm>>) target_semaphore(%run_scoped3A : memref<!tpu.dma_semaphore, #tpu.memory_space<semaphore_mem>>)
        %dma_wait3A = arith.constant 0 : i32
        %dma_wait3A_144 = tpu.memref_slice %arg6[%squeeze3A_40, %dma_wait3A] : memref<20480x18432xf32, #tpu.memory_space<hbm>> -> memref<1x18432xf32, #tpu.memory_space<hbm>>
        %dma_wait3A_145 = arith.constant 0 : i32
        %dma_wait3A_146 = tpu.memref_slice %arg6[%squeeze3A_40, %dma_wait3A_145] : memref<20480x18432xf32, #tpu.memory_space<hbm>> -> memref<1x18432xf32, #tpu.memory_space<hbm>>
        tpu.wait_dma2 semaphore(%run_scoped3A : memref<!tpu.dma_semaphore, #tpu.memory_space<semaphore_mem>>) src(%arg10 : memref<1x18432xf32, #tpu.memory_space<vmem>>) dst(%dma_wait3A_146 : memref<1x18432xf32, #tpu.memory_space<hbm>>)
        tpu.yield
      }) : () -> ()
      %slice3A_45 = vector.extract_strided_slice %get3A_12 {offsets = [4], sizes = [1], strides = [1]} : vector<16xi32> to vector<1xi32>
      %squeeze3A_46 = vector.extract %slice3A_45[0] : i32 from vector<1xi32>
      %slice3A_47 = vector.extract_strided_slice %get3A_17 {offsets = [4], sizes = [1], strides = [1]} : vector<16xi32> to vector<1xi32>
      %squeeze3A_48 = vector.extract %slice3A_47[0] : i32 from vector<1xi32>
      %ne3A_49 = arith.cmpi ne, %squeeze3A_46, %squeeze3A_38 : i32
      %convert_element_type3A_50 = arith.extui %ne3A_49 : i1 to i32
      %cond3A_51 = arith.constant 0 : i32
      %cond3A_52 = arith.cmpi ne, %convert_element_type3A_50, %cond3A_51 : i32
      scf.if %cond3A_52 {
        %mul3A_141 = arith.constant 16 : i32
        %mul3A_142 = arith.muli %scan3A_7, %mul3A_141 : i32
        %add3A_143 = arith.constant 4 : i32
        %add3A_144 = arith.addi %mul3A_142, %add3A_143 : i32
        %dma_start3A = arith.constant 0 : i32
        %dma_start3A_145 = tpu.memref_slice %arg7[%add3A_144, %dma_start3A] : memref<640x1xi32, #tpu.memory_space<vmem>> -> memref<1x1xi32, #tpu.memory_space<vmem>>
        %dma_start3A_146 = tpu.memref_squeeze %dma_start3A_145 : memref<1x1xi32, #tpu.memory_space<vmem>> -> memref<1xi32, #tpu.memory_space<vmem>>
        %dma_start3A_147 = arith.constant 0 : i32
        %dma_start3A_148 = arith.constant 0 : i32
        %dma_start3A_149 = tpu.memref_slice %arg5[%dma_start3A_147, %dma_start3A_148] : memref<1000x18432xf32, #tpu.memory_space<hbm>> -> memref<1000x18432xf32, #tpu.memory_space<hbm>>
        tpu.enqueue_indirect_dma source(%dma_start3A_149 : memref<1000x18432xf32, #tpu.memory_space<hbm>>) target(%arg10 : memref<1x18432xf32, #tpu.memory_space<vmem>>) offsets(%dma_start3A_146 : memref<1xi32, #tpu.memory_space<vmem>>) semaphore(%arg11 : memref<!tpu.dma_semaphore, #tpu.memory_space<semaphore_mem>>)
        %dma_wait3A = arith.constant 0 : i32
        %dma_wait3A_150 = tpu.memref_slice %arg7[%add3A_144, %dma_wait3A] : memref<640x1xi32, #tpu.memory_space<vmem>> -> memref<1x1xi32, #tpu.memory_space<vmem>>
        %dma_wait3A_151 = tpu.memref_squeeze %dma_wait3A_150 : memref<1x1xi32, #tpu.memory_space<vmem>> -> memref<1xi32, #tpu.memory_space<vmem>>
        %dma_wait3A_152 = arith.constant 0 : i32
        %dma_wait3A_153 = arith.constant 0 : i32
        %dma_wait3A_154 = tpu.memref_slice %arg5[%dma_wait3A_152, %dma_wait3A_153] : memref<1000x18432xf32, #tpu.memory_space<hbm>> -> memref<1000x18432xf32, #tpu.memory_space<hbm>>
        tpu.wait_indirect_dma semaphore(%arg11 : memref<!tpu.dma_semaphore, #tpu.memory_space<semaphore_mem>>) src(%dma_wait3A_154 : memref<1000x18432xf32, #tpu.memory_space<hbm>>) dst(%arg10 : memref<1x18432xf32, #tpu.memory_space<vmem>>)
      } else {
      }
      "tpu.region"() ({
        %run_scoped3A = tpu.sem_alloc : memref<!tpu.dma_semaphore, #tpu.memory_space<semaphore_mem>>
        %dma_start3A = arith.constant 0 : i32
        %dma_start3A_141 = tpu.memref_slice %arg6[%squeeze3A_48, %dma_start3A] : memref<20480x18432xf32, #tpu.memory_space<hbm>> -> memref<1x18432xf32, #tpu.memory_space<hbm>>
        %dma_start3A_142 = arith.constant 0 : i32
        %dma_start3A_143 = tpu.memref_slice %arg6[%squeeze3A_48, %dma_start3A_142] : memref<20480x18432xf32, #tpu.memory_space<hbm>> -> memref<1x18432xf32, #tpu.memory_space<hbm>>
        tpu.enqueue_dma source(%arg10 : memref<1x18432xf32, #tpu.memory_space<vmem>>) target(%dma_start3A_143 : memref<1x18432xf32, #tpu.memory_space<hbm>>) target_semaphore(%run_scoped3A : memref<!tpu.dma_semaphore, #tpu.memory_space<semaphore_mem>>)
        %dma_wait3A = arith.constant 0 : i32
        %dma_wait3A_144 = tpu.memref_slice %arg6[%squeeze3A_48, %dma_wait3A] : memref<20480x18432xf32, #tpu.memory_space<hbm>> -> memref<1x18432xf32, #tpu.memory_space<hbm>>
        %dma_wait3A_145 = arith.constant 0 : i32
        %dma_wait3A_146 = tpu.memref_slice %arg6[%squeeze3A_48, %dma_wait3A_145] : memref<20480x18432xf32, #tpu.memory_space<hbm>> -> memref<1x18432xf32, #tpu.memory_space<hbm>>
        tpu.wait_dma2 semaphore(%run_scoped3A : memref<!tpu.dma_semaphore, #tpu.memory_space<semaphore_mem>>) src(%arg10 : memref<1x18432xf32, #tpu.memory_space<vmem>>) dst(%dma_wait3A_146 : memref<1x18432xf32, #tpu.memory_space<hbm>>)
        tpu.yield
      }) : () -> ()
      %slice3A_53 = vector.extract_strided_slice %get3A_12 {offsets = [5], sizes = [1], strides = [1]} : vector<16xi32> to vector<1xi32>
      %squeeze3A_54 = vector.extract %slice3A_53[0] : i32 from vector<1xi32>
      %slice3A_55 = vector.extract_strided_slice %get3A_17 {offsets = [5], sizes = [1], strides = [1]} : vector<16xi32> to vector<1xi32>
      %squeeze3A_56 = vector.extract %slice3A_55[0] : i32 from vector<1xi32>
      %ne3A_57 = arith.cmpi ne, %squeeze3A_54, %squeeze3A_46 : i32
      %convert_element_type3A_58 = arith.extui %ne3A_57 : i1 to i32
      %cond3A_59 = arith.constant 0 : i32
      %cond3A_60 = arith.cmpi ne, %convert_element_type3A_58, %cond3A_59 : i32
      scf.if %cond3A_60 {
        %mul3A_141 = arith.constant 16 : i32
        %mul3A_142 = arith.muli %scan3A_7, %mul3A_141 : i32
        %add3A_143 = arith.constant 5 : i32
        %add3A_144 = arith.addi %mul3A_142, %add3A_143 : i32
        %dma_start3A = arith.constant 0 : i32
        %dma_start3A_145 = tpu.memref_slice %arg7[%add3A_144, %dma_start3A] : memref<640x1xi32, #tpu.memory_space<vmem>> -> memref<1x1xi32, #tpu.memory_space<vmem>>
        %dma_start3A_146 = tpu.memref_squeeze %dma_start3A_145 : memref<1x1xi32, #tpu.memory_space<vmem>> -> memref<1xi32, #tpu.memory_space<vmem>>
        %dma_start3A_147 = arith.constant 0 : i32
        %dma_start3A_148 = arith.constant 0 : i32
        %dma_start3A_149 = tpu.memref_slice %arg5[%dma_start3A_147, %dma_start3A_148] : memref<1000x18432xf32, #tpu.memory_space<hbm>> -> memref<1000x18432xf32, #tpu.memory_space<hbm>>
        tpu.enqueue_indirect_dma source(%dma_start3A_149 : memref<1000x18432xf32, #tpu.memory_space<hbm>>) target(%arg10 : memref<1x18432xf32, #tpu.memory_space<vmem>>) offsets(%dma_start3A_146 : memref<1xi32, #tpu.memory_space<vmem>>) semaphore(%arg11 : memref<!tpu.dma_semaphore, #tpu.memory_space<semaphore_mem>>)
        %dma_wait3A = arith.constant 0 : i32
        %dma_wait3A_150 = tpu.memref_slice %arg7[%add3A_144, %dma_wait3A] : memref<640x1xi32, #tpu.memory_space<vmem>> -> memref<1x1xi32, #tpu.memory_space<vmem>>
        %dma_wait3A_151 = tpu.memref_squeeze %dma_wait3A_150 : memref<1x1xi32, #tpu.memory_space<vmem>> -> memref<1xi32, #tpu.memory_space<vmem>>
        %dma_wait3A_152 = arith.constant 0 : i32
        %dma_wait3A_153 = arith.constant 0 : i32
        %dma_wait3A_154 = tpu.memref_slice %arg5[%dma_wait3A_152, %dma_wait3A_153] : memref<1000x18432xf32, #tpu.memory_space<hbm>> -> memref<1000x18432xf32, #tpu.memory_space<hbm>>
        tpu.wait_indirect_dma semaphore(%arg11 : memref<!tpu.dma_semaphore, #tpu.memory_space<semaphore_mem>>) src(%dma_wait3A_154 : memref<1000x18432xf32, #tpu.memory_space<hbm>>) dst(%arg10 : memref<1x18432xf32, #tpu.memory_space<vmem>>)
      } else {
      }
      "tpu.region"() ({
        %run_scoped3A = tpu.sem_alloc : memref<!tpu.dma_semaphore, #tpu.memory_space<semaphore_mem>>
        %dma_start3A = arith.constant 0 : i32
        %dma_start3A_141 = tpu.memref_slice %arg6[%squeeze3A_56, %dma_start3A] : memref<20480x18432xf32, #tpu.memory_space<hbm>> -> memref<1x18432xf32, #tpu.memory_space<hbm>>
        %dma_start3A_142 = arith.constant 0 : i32
        %dma_start3A_143 = tpu.memref_slice %arg6[%squeeze3A_56, %dma_start3A_142] : memref<20480x18432xf32, #tpu.memory_space<hbm>> -> memref<1x18432xf32, #tpu.memory_space<hbm>>
        tpu.enqueue_dma source(%arg10 : memref<1x18432xf32, #tpu.memory_space<vmem>>) target(%dma_start3A_143 : memref<1x18432xf32, #tpu.memory_space<hbm>>) target_semaphore(%run_scoped3A : memref<!tpu.dma_semaphore, #tpu.memory_space<semaphore_mem>>)
        %dma_wait3A = arith.constant 0 : i32
        %dma_wait3A_144 = tpu.memref_slice %arg6[%squeeze3A_56, %dma_wait3A] : memref<20480x18432xf32, #tpu.memory_space<hbm>> -> memref<1x18432xf32, #tpu.memory_space<hbm>>
        %dma_wait3A_145 = arith.constant 0 : i32
        %dma_wait3A_146 = tpu.memref_slice %arg6[%squeeze3A_56, %dma_wait3A_145] : memref<20480x18432xf32, #tpu.memory_space<hbm>> -> memref<1x18432xf32, #tpu.memory_space<hbm>>
        tpu.wait_dma2 semaphore(%run_scoped3A : memref<!tpu.dma_semaphore, #tpu.memory_space<semaphore_mem>>) src(%arg10 : memref<1x18432xf32, #tpu.memory_space<vmem>>) dst(%dma_wait3A_146 : memref<1x18432xf32, #tpu.memory_space<hbm>>)
        tpu.yield
      }) : () -> ()
      %slice3A_61 = vector.extract_strided_slice %get3A_12 {offsets = [6], sizes = [1], strides = [1]} : vector<16xi32> to vector<1xi32>
      %squeeze3A_62 = vector.extract %slice3A_61[0] : i32 from vector<1xi32>
      %slice3A_63 = vector.extract_strided_slice %get3A_17 {offsets = [6], sizes = [1], strides = [1]} : vector<16xi32> to vector<1xi32>
      %squeeze3A_64 = vector.extract %slice3A_63[0] : i32 from vector<1xi32>
      %ne3A_65 = arith.cmpi ne, %squeeze3A_62, %squeeze3A_54 : i32
      %convert_element_type3A_66 = arith.extui %ne3A_65 : i1 to i32
      %cond3A_67 = arith.constant 0 : i32
      %cond3A_68 = arith.cmpi ne, %convert_element_type3A_66, %cond3A_67 : i32
      scf.if %cond3A_68 {
        %mul3A_141 = arith.constant 16 : i32
        %mul3A_142 = arith.muli %scan3A_7, %mul3A_141 : i32
        %add3A_143 = arith.constant 6 : i32
        %add3A_144 = arith.addi %mul3A_142, %add3A_143 : i32
        %dma_start3A = arith.constant 0 : i32
        %dma_start3A_145 = tpu.memref_slice %arg7[%add3A_144, %dma_start3A] : memref<640x1xi32, #tpu.memory_space<vmem>> -> memref<1x1xi32, #tpu.memory_space<vmem>>
        %dma_start3A_146 = tpu.memref_squeeze %dma_start3A_145 : memref<1x1xi32, #tpu.memory_space<vmem>> -> memref<1xi32, #tpu.memory_space<vmem>>
        %dma_start3A_147 = arith.constant 0 : i32
        %dma_start3A_148 = arith.constant 0 : i32
        %dma_start3A_149 = tpu.memref_slice %arg5[%dma_start3A_147, %dma_start3A_148] : memref<1000x18432xf32, #tpu.memory_space<hbm>> -> memref<1000x18432xf32, #tpu.memory_space<hbm>>
        tpu.enqueue_indirect_dma source(%dma_start3A_149 : memref<1000x18432xf32, #tpu.memory_space<hbm>>) target(%arg10 : memref<1x18432xf32, #tpu.memory_space<vmem>>) offsets(%dma_start3A_146 : memref<1xi32, #tpu.memory_space<vmem>>) semaphore(%arg11 : memref<!tpu.dma_semaphore, #tpu.memory_space<semaphore_mem>>)
        %dma_wait3A = arith.constant 0 : i32
        %dma_wait3A_150 = tpu.memref_slice %arg7[%add3A_144, %dma_wait3A] : memref<640x1xi32, #tpu.memory_space<vmem>> -> memref<1x1xi32, #tpu.memory_space<vmem>>
        %dma_wait3A_151 = tpu.memref_squeeze %dma_wait3A_150 : memref<1x1xi32, #tpu.memory_space<vmem>> -> memref<1xi32, #tpu.memory_space<vmem>>
        %dma_wait3A_152 = arith.constant 0 : i32
        %dma_wait3A_153 = arith.constant 0 : i32
        %dma_wait3A_154 = tpu.memref_slice %arg5[%dma_wait3A_152, %dma_wait3A_153] : memref<1000x18432xf32, #tpu.memory_space<hbm>> -> memref<1000x18432xf32, #tpu.memory_space<hbm>>
        tpu.wait_indirect_dma semaphore(%arg11 : memref<!tpu.dma_semaphore, #tpu.memory_space<semaphore_mem>>) src(%dma_wait3A_154 : memref<1000x18432xf32, #tpu.memory_space<hbm>>) dst(%arg10 : memref<1x18432xf32, #tpu.memory_space<vmem>>)
      } else {
      }
      "tpu.region"() ({
        %run_scoped3A = tpu.sem_alloc : memref<!tpu.dma_semaphore, #tpu.memory_space<semaphore_mem>>
        %dma_start3A = arith.constant 0 : i32
        %dma_start3A_141 = tpu.memref_slice %arg6[%squeeze3A_64, %dma_start3A] : memref<20480x18432xf32, #tpu.memory_space<hbm>> -> memref<1x18432xf32, #tpu.memory_space<hbm>>
        %dma_start3A_142 = arith.constant 0 : i32
        %dma_start3A_143 = tpu.memref_slice %arg6[%squeeze3A_64, %dma_start3A_142] : memref<20480x18432xf32, #tpu.memory_space<hbm>> -> memref<1x18432xf32, #tpu.memory_space<hbm>>
        tpu.enqueue_dma source(%arg10 : memref<1x18432xf32, #tpu.memory_space<vmem>>) target(%dma_start3A_143 : memref<1x18432xf32, #tpu.memory_space<hbm>>) target_semaphore(%run_scoped3A : memref<!tpu.dma_semaphore, #tpu.memory_space<semaphore_mem>>)
        %dma_wait3A = arith.constant 0 : i32
        %dma_wait3A_144 = tpu.memref_slice %arg6[%squeeze3A_64, %dma_wait3A] : memref<20480x18432xf32, #tpu.memory_space<hbm>> -> memref<1x18432xf32, #tpu.memory_space<hbm>>
        %dma_wait3A_145 = arith.constant 0 : i32
        %dma_wait3A_146 = tpu.memref_slice %arg6[%squeeze3A_64, %dma_wait3A_145] : memref<20480x18432xf32, #tpu.memory_space<hbm>> -> memref<1x18432xf32, #tpu.memory_space<hbm>>
        tpu.wait_dma2 semaphore(%run_scoped3A : memref<!tpu.dma_semaphore, #tpu.memory_space<semaphore_mem>>) src(%arg10 : memref<1x18432xf32, #tpu.memory_space<vmem>>) dst(%dma_wait3A_146 : memref<1x18432xf32, #tpu.memory_space<hbm>>)
        tpu.yield
      }) : () -> ()
      %slice3A_69 = vector.extract_strided_slice %get3A_12 {offsets = [7], sizes = [1], strides = [1]} : vector<16xi32> to vector<1xi32>
      %squeeze3A_70 = vector.extract %slice3A_69[0] : i32 from vector<1xi32>
      %slice3A_71 = vector.extract_strided_slice %get3A_17 {offsets = [7], sizes = [1], strides = [1]} : vector<16xi32> to vector<1xi32>
      %squeeze3A_72 = vector.extract %slice3A_71[0] : i32 from vector<1xi32>
      %ne3A_73 = arith.cmpi ne, %squeeze3A_70, %squeeze3A_62 : i32
      %convert_element_type3A_74 = arith.extui %ne3A_73 : i1 to i32
      %cond3A_75 = arith.constant 0 : i32
      %cond3A_76 = arith.cmpi ne, %convert_element_type3A_74, %cond3A_75 : i32
      scf.if %cond3A_76 {
        %mul3A_141 = arith.constant 16 : i32
        %mul3A_142 = arith.muli %scan3A_7, %mul3A_141 : i32
        %add3A_143 = arith.constant 7 : i32
        %add3A_144 = arith.addi %mul3A_142, %add3A_143 : i32
        %dma_start3A = arith.constant 0 : i32
        %dma_start3A_145 = tpu.memref_slice %arg7[%add3A_144, %dma_start3A] : memref<640x1xi32, #tpu.memory_space<vmem>> -> memref<1x1xi32, #tpu.memory_space<vmem>>
        %dma_start3A_146 = tpu.memref_squeeze %dma_start3A_145 : memref<1x1xi32, #tpu.memory_space<vmem>> -> memref<1xi32, #tpu.memory_space<vmem>>
        %dma_start3A_147 = arith.constant 0 : i32
        %dma_start3A_148 = arith.constant 0 : i32
        %dma_start3A_149 = tpu.memref_slice %arg5[%dma_start3A_147, %dma_start3A_148] : memref<1000x18432xf32, #tpu.memory_space<hbm>> -> memref<1000x18432xf32, #tpu.memory_space<hbm>>
        tpu.enqueue_indirect_dma source(%dma_start3A_149 : memref<1000x18432xf32, #tpu.memory_space<hbm>>) target(%arg10 : memref<1x18432xf32, #tpu.memory_space<vmem>>) offsets(%dma_start3A_146 : memref<1xi32, #tpu.memory_space<vmem>>) semaphore(%arg11 : memref<!tpu.dma_semaphore, #tpu.memory_space<semaphore_mem>>)
        %dma_wait3A = arith.constant 0 : i32
        %dma_wait3A_150 = tpu.memref_slice %arg7[%add3A_144, %dma_wait3A] : memref<640x1xi32, #tpu.memory_space<vmem>> -> memref<1x1xi32, #tpu.memory_space<vmem>>
        %dma_wait3A_151 = tpu.memref_squeeze %dma_wait3A_150 : memref<1x1xi32, #tpu.memory_space<vmem>> -> memref<1xi32, #tpu.memory_space<vmem>>
        %dma_wait3A_152 = arith.constant 0 : i32
        %dma_wait3A_153 = arith.constant 0 : i32
        %dma_wait3A_154 = tpu.memref_slice %arg5[%dma_wait3A_152, %dma_wait3A_153] : memref<1000x18432xf32, #tpu.memory_space<hbm>> -> memref<1000x18432xf32, #tpu.memory_space<hbm>>
        tpu.wait_indirect_dma semaphore(%arg11 : memref<!tpu.dma_semaphore, #tpu.memory_space<semaphore_mem>>) src(%dma_wait3A_154 : memref<1000x18432xf32, #tpu.memory_space<hbm>>) dst(%arg10 : memref<1x18432xf32, #tpu.memory_space<vmem>>)
      } else {
      }
      "tpu.region"() ({
        %run_scoped3A = tpu.sem_alloc : memref<!tpu.dma_semaphore, #tpu.memory_space<semaphore_mem>>
        %dma_start3A = arith.constant 0 : i32
        %dma_start3A_141 = tpu.memref_slice %arg6[%squeeze3A_72, %dma_start3A] : memref<20480x18432xf32, #tpu.memory_space<hbm>> -> memref<1x18432xf32, #tpu.memory_space<hbm>>
        %dma_start3A_142 = arith.constant 0 : i32
        %dma_start3A_143 = tpu.memref_slice %arg6[%squeeze3A_72, %dma_start3A_142] : memref<20480x18432xf32, #tpu.memory_space<hbm>> -> memref<1x18432xf32, #tpu.memory_space<hbm>>
        tpu.enqueue_dma source(%arg10 : memref<1x18432xf32, #tpu.memory_space<vmem>>) target(%dma_start3A_143 : memref<1x18432xf32, #tpu.memory_space<hbm>>) target_semaphore(%run_scoped3A : memref<!tpu.dma_semaphore, #tpu.memory_space<semaphore_mem>>)
        %dma_wait3A = arith.constant 0 : i32
        %dma_wait3A_144 = tpu.memref_slice %arg6[%squeeze3A_72, %dma_wait3A] : memref<20480x18432xf32, #tpu.memory_space<hbm>> -> memref<1x18432xf32, #tpu.memory_space<hbm>>
        %dma_wait3A_145 = arith.constant 0 : i32
        %dma_wait3A_146 = tpu.memref_slice %arg6[%squeeze3A_72, %dma_wait3A_145] : memref<20480x18432xf32, #tpu.memory_space<hbm>> -> memref<1x18432xf32, #tpu.memory_space<hbm>>
        tpu.wait_dma2 semaphore(%run_scoped3A : memref<!tpu.dma_semaphore, #tpu.memory_space<semaphore_mem>>) src(%arg10 : memref<1x18432xf32, #tpu.memory_space<vmem>>) dst(%dma_wait3A_146 : memref<1x18432xf32, #tpu.memory_space<hbm>>)
        tpu.yield
      }) : () -> ()
      %slice3A_77 = vector.extract_strided_slice %get3A_12 {offsets = [8], sizes = [1], strides = [1]} : vector<16xi32> to vector<1xi32>
      %squeeze3A_78 = vector.extract %slice3A_77[0] : i32 from vector<1xi32>
      %slice3A_79 = vector.extract_strided_slice %get3A_17 {offsets = [8], sizes = [1], strides = [1]} : vector<16xi32> to vector<1xi32>
      %squeeze3A_80 = vector.extract %slice3A_79[0] : i32 from vector<1xi32>
      %ne3A_81 = arith.cmpi ne, %squeeze3A_78, %squeeze3A_70 : i32
      %convert_element_type3A_82 = arith.extui %ne3A_81 : i1 to i32
      %cond3A_83 = arith.constant 0 : i32
      %cond3A_84 = arith.cmpi ne, %convert_element_type3A_82, %cond3A_83 : i32
      scf.if %cond3A_84 {
        %mul3A_141 = arith.constant 16 : i32
        %mul3A_142 = arith.muli %scan3A_7, %mul3A_141 : i32
        %add3A_143 = arith.constant 8 : i32
        %add3A_144 = arith.addi %mul3A_142, %add3A_143 : i32
        %dma_start3A = arith.constant 0 : i32
        %dma_start3A_145 = tpu.memref_slice %arg7[%add3A_144, %dma_start3A] : memref<640x1xi32, #tpu.memory_space<vmem>> -> memref<1x1xi32, #tpu.memory_space<vmem>>
        %dma_start3A_146 = tpu.memref_squeeze %dma_start3A_145 : memref<1x1xi32, #tpu.memory_space<vmem>> -> memref<1xi32, #tpu.memory_space<vmem>>
        %dma_start3A_147 = arith.constant 0 : i32
        %dma_start3A_148 = arith.constant 0 : i32
        %dma_start3A_149 = tpu.memref_slice %arg5[%dma_start3A_147, %dma_start3A_148] : memref<1000x18432xf32, #tpu.memory_space<hbm>> -> memref<1000x18432xf32, #tpu.memory_space<hbm>>
        tpu.enqueue_indirect_dma source(%dma_start3A_149 : memref<1000x18432xf32, #tpu.memory_space<hbm>>) target(%arg10 : memref<1x18432xf32, #tpu.memory_space<vmem>>) offsets(%dma_start3A_146 : memref<1xi32, #tpu.memory_space<vmem>>) semaphore(%arg11 : memref<!tpu.dma_semaphore, #tpu.memory_space<semaphore_mem>>)
        %dma_wait3A = arith.constant 0 : i32
        %dma_wait3A_150 = tpu.memref_slice %arg7[%add3A_144, %dma_wait3A] : memref<640x1xi32, #tpu.memory_space<vmem>> -> memref<1x1xi32, #tpu.memory_space<vmem>>
        %dma_wait3A_151 = tpu.memref_squeeze %dma_wait3A_150 : memref<1x1xi32, #tpu.memory_space<vmem>> -> memref<1xi32, #tpu.memory_space<vmem>>
        %dma_wait3A_152 = arith.constant 0 : i32
        %dma_wait3A_153 = arith.constant 0 : i32
        %dma_wait3A_154 = tpu.memref_slice %arg5[%dma_wait3A_152, %dma_wait3A_153] : memref<1000x18432xf32, #tpu.memory_space<hbm>> -> memref<1000x18432xf32, #tpu.memory_space<hbm>>
        tpu.wait_indirect_dma semaphore(%arg11 : memref<!tpu.dma_semaphore, #tpu.memory_space<semaphore_mem>>) src(%dma_wait3A_154 : memref<1000x18432xf32, #tpu.memory_space<hbm>>) dst(%arg10 : memref<1x18432xf32, #tpu.memory_space<vmem>>)
      } else {
      }
      "tpu.region"() ({
        %run_scoped3A = tpu.sem_alloc : memref<!tpu.dma_semaphore, #tpu.memory_space<semaphore_mem>>
        %dma_start3A = arith.constant 0 : i32
        %dma_start3A_141 = tpu.memref_slice %arg6[%squeeze3A_80, %dma_start3A] : memref<20480x18432xf32, #tpu.memory_space<hbm>> -> memref<1x18432xf32, #tpu.memory_space<hbm>>
        %dma_start3A_142 = arith.constant 0 : i32
        %dma_start3A_143 = tpu.memref_slice %arg6[%squeeze3A_80, %dma_start3A_142] : memref<20480x18432xf32, #tpu.memory_space<hbm>> -> memref<1x18432xf32, #tpu.memory_space<hbm>>
        tpu.enqueue_dma source(%arg10 : memref<1x18432xf32, #tpu.memory_space<vmem>>) target(%dma_start3A_143 : memref<1x18432xf32, #tpu.memory_space<hbm>>) target_semaphore(%run_scoped3A : memref<!tpu.dma_semaphore, #tpu.memory_space<semaphore_mem>>)
        %dma_wait3A = arith.constant 0 : i32
        %dma_wait3A_144 = tpu.memref_slice %arg6[%squeeze3A_80, %dma_wait3A] : memref<20480x18432xf32, #tpu.memory_space<hbm>> -> memref<1x18432xf32, #tpu.memory_space<hbm>>
        %dma_wait3A_145 = arith.constant 0 : i32
        %dma_wait3A_146 = tpu.memref_slice %arg6[%squeeze3A_80, %dma_wait3A_145] : memref<20480x18432xf32, #tpu.memory_space<hbm>> -> memref<1x18432xf32, #tpu.memory_space<hbm>>
        tpu.wait_dma2 semaphore(%run_scoped3A : memref<!tpu.dma_semaphore, #tpu.memory_space<semaphore_mem>>) src(%arg10 : memref<1x18432xf32, #tpu.memory_space<vmem>>) dst(%dma_wait3A_146 : memref<1x18432xf32, #tpu.memory_space<hbm>>)
        tpu.yield
      }) : () -> ()
      %slice3A_85 = vector.extract_strided_slice %get3A_12 {offsets = [9], sizes = [1], strides = [1]} : vector<16xi32> to vector<1xi32>
      %squeeze3A_86 = vector.extract %slice3A_85[0] : i32 from vector<1xi32>
      %slice3A_87 = vector.extract_strided_slice %get3A_17 {offsets = [9], sizes = [1], strides = [1]} : vector<16xi32> to vector<1xi32>
      %squeeze3A_88 = vector.extract %slice3A_87[0] : i32 from vector<1xi32>
      %ne3A_89 = arith.cmpi ne, %squeeze3A_86, %squeeze3A_78 : i32
      %convert_element_type3A_90 = arith.extui %ne3A_89 : i1 to i32
      %cond3A_91 = arith.constant 0 : i32
      %cond3A_92 = arith.cmpi ne, %convert_element_type3A_90, %cond3A_91 : i32
      scf.if %cond3A_92 {
        %mul3A_141 = arith.constant 16 : i32
        %mul3A_142 = arith.muli %scan3A_7, %mul3A_141 : i32
        %add3A_143 = arith.constant 9 : i32
        %add3A_144 = arith.addi %mul3A_142, %add3A_143 : i32
        %dma_start3A = arith.constant 0 : i32
        %dma_start3A_145 = tpu.memref_slice %arg7[%add3A_144, %dma_start3A] : memref<640x1xi32, #tpu.memory_space<vmem>> -> memref<1x1xi32, #tpu.memory_space<vmem>>
        %dma_start3A_146 = tpu.memref_squeeze %dma_start3A_145 : memref<1x1xi32, #tpu.memory_space<vmem>> -> memref<1xi32, #tpu.memory_space<vmem>>
        %dma_start3A_147 = arith.constant 0 : i32
        %dma_start3A_148 = arith.constant 0 : i32
        %dma_start3A_149 = tpu.memref_slice %arg5[%dma_start3A_147, %dma_start3A_148] : memref<1000x18432xf32, #tpu.memory_space<hbm>> -> memref<1000x18432xf32, #tpu.memory_space<hbm>>
        tpu.enqueue_indirect_dma source(%dma_start3A_149 : memref<1000x18432xf32, #tpu.memory_space<hbm>>) target(%arg10 : memref<1x18432xf32, #tpu.memory_space<vmem>>) offsets(%dma_start3A_146 : memref<1xi32, #tpu.memory_space<vmem>>) semaphore(%arg11 : memref<!tpu.dma_semaphore, #tpu.memory_space<semaphore_mem>>)
        %dma_wait3A = arith.constant 0 : i32
        %dma_wait3A_150 = tpu.memref_slice %arg7[%add3A_144, %dma_wait3A] : memref<640x1xi32, #tpu.memory_space<vmem>> -> memref<1x1xi32, #tpu.memory_space<vmem>>
        %dma_wait3A_151 = tpu.memref_squeeze %dma_wait3A_150 : memref<1x1xi32, #tpu.memory_space<vmem>> -> memref<1xi32, #tpu.memory_space<vmem>>
        %dma_wait3A_152 = arith.constant 0 : i32
        %dma_wait3A_153 = arith.constant 0 : i32
        %dma_wait3A_154 = tpu.memref_slice %arg5[%dma_wait3A_152, %dma_wait3A_153] : memref<1000x18432xf32, #tpu.memory_space<hbm>> -> memref<1000x18432xf32, #tpu.memory_space<hbm>>
        tpu.wait_indirect_dma semaphore(%arg11 : memref<!tpu.dma_semaphore, #tpu.memory_space<semaphore_mem>>) src(%dma_wait3A_154 : memref<1000x18432xf32, #tpu.memory_space<hbm>>) dst(%arg10 : memref<1x18432xf32, #tpu.memory_space<vmem>>)
      } else {
      }
      "tpu.region"() ({
        %run_scoped3A = tpu.sem_alloc : memref<!tpu.dma_semaphore, #tpu.memory_space<semaphore_mem>>
        %dma_start3A = arith.constant 0 : i32
        %dma_start3A_141 = tpu.memref_slice %arg6[%squeeze3A_88, %dma_start3A] : memref<20480x18432xf32, #tpu.memory_space<hbm>> -> memref<1x18432xf32, #tpu.memory_space<hbm>>
        %dma_start3A_142 = arith.constant 0 : i32
        %dma_start3A_143 = tpu.memref_slice %arg6[%squeeze3A_88, %dma_start3A_142] : memref<20480x18432xf32, #tpu.memory_space<hbm>> -> memref<1x18432xf32, #tpu.memory_space<hbm>>
        tpu.enqueue_dma source(%arg10 : memref<1x18432xf32, #tpu.memory_space<vmem>>) target(%dma_start3A_143 : memref<1x18432xf32, #tpu.memory_space<hbm>>) target_semaphore(%run_scoped3A : memref<!tpu.dma_semaphore, #tpu.memory_space<semaphore_mem>>)
        %dma_wait3A = arith.constant 0 : i32
        %dma_wait3A_144 = tpu.memref_slice %arg6[%squeeze3A_88, %dma_wait3A] : memref<20480x18432xf32, #tpu.memory_space<hbm>> -> memref<1x18432xf32, #tpu.memory_space<hbm>>
        %dma_wait3A_145 = arith.constant 0 : i32
        %dma_wait3A_146 = tpu.memref_slice %arg6[%squeeze3A_88, %dma_wait3A_145] : memref<20480x18432xf32, #tpu.memory_space<hbm>> -> memref<1x18432xf32, #tpu.memory_space<hbm>>
        tpu.wait_dma2 semaphore(%run_scoped3A : memref<!tpu.dma_semaphore, #tpu.memory_space<semaphore_mem>>) src(%arg10 : memref<1x18432xf32, #tpu.memory_space<vmem>>) dst(%dma_wait3A_146 : memref<1x18432xf32, #tpu.memory_space<hbm>>)
        tpu.yield
      }) : () -> ()
      %slice3A_93 = vector.extract_strided_slice %get3A_12 {offsets = [10], sizes = [1], strides = [1]} : vector<16xi32> to vector<1xi32>
      %squeeze3A_94 = vector.extract %slice3A_93[0] : i32 from vector<1xi32>
      %slice3A_95 = vector.extract_strided_slice %get3A_17 {offsets = [10], sizes = [1], strides = [1]} : vector<16xi32> to vector<1xi32>
      %squeeze3A_96 = vector.extract %slice3A_95[0] : i32 from vector<1xi32>
      %ne3A_97 = arith.cmpi ne, %squeeze3A_94, %squeeze3A_86 : i32
      %convert_element_type3A_98 = arith.extui %ne3A_97 : i1 to i32
      %cond3A_99 = arith.constant 0 : i32
      %cond3A_100 = arith.cmpi ne, %convert_element_type3A_98, %cond3A_99 : i32
      scf.if %cond3A_100 {
        %mul3A_141 = arith.constant 16 : i32
        %mul3A_142 = arith.muli %scan3A_7, %mul3A_141 : i32
        %add3A_143 = arith.constant 10 : i32
        %add3A_144 = arith.addi %mul3A_142, %add3A_143 : i32
        %dma_start3A = arith.constant 0 : i32
        %dma_start3A_145 = tpu.memref_slice %arg7[%add3A_144, %dma_start3A] : memref<640x1xi32, #tpu.memory_space<vmem>> -> memref<1x1xi32, #tpu.memory_space<vmem>>
        %dma_start3A_146 = tpu.memref_squeeze %dma_start3A_145 : memref<1x1xi32, #tpu.memory_space<vmem>> -> memref<1xi32, #tpu.memory_space<vmem>>
        %dma_start3A_147 = arith.constant 0 : i32
        %dma_start3A_148 = arith.constant 0 : i32
        %dma_start3A_149 = tpu.memref_slice %arg5[%dma_start3A_147, %dma_start3A_148] : memref<1000x18432xf32, #tpu.memory_space<hbm>> -> memref<1000x18432xf32, #tpu.memory_space<hbm>>
        tpu.enqueue_indirect_dma source(%dma_start3A_149 : memref<1000x18432xf32, #tpu.memory_space<hbm>>) target(%arg10 : memref<1x18432xf32, #tpu.memory_space<vmem>>) offsets(%dma_start3A_146 : memref<1xi32, #tpu.memory_space<vmem>>) semaphore(%arg11 : memref<!tpu.dma_semaphore, #tpu.memory_space<semaphore_mem>>)
        %dma_wait3A = arith.constant 0 : i32
        %dma_wait3A_150 = tpu.memref_slice %arg7[%add3A_144, %dma_wait3A] : memref<640x1xi32, #tpu.memory_space<vmem>> -> memref<1x1xi32, #tpu.memory_space<vmem>>
        %dma_wait3A_151 = tpu.memref_squeeze %dma_wait3A_150 : memref<1x1xi32, #tpu.memory_space<vmem>> -> memref<1xi32, #tpu.memory_space<vmem>>
        %dma_wait3A_152 = arith.constant 0 : i32
        %dma_wait3A_153 = arith.constant 0 : i32
        %dma_wait3A_154 = tpu.memref_slice %arg5[%dma_wait3A_152, %dma_wait3A_153] : memref<1000x18432xf32, #tpu.memory_space<hbm>> -> memref<1000x18432xf32, #tpu.memory_space<hbm>>
        tpu.wait_indirect_dma semaphore(%arg11 : memref<!tpu.dma_semaphore, #tpu.memory_space<semaphore_mem>>) src(%dma_wait3A_154 : memref<1000x18432xf32, #tpu.memory_space<hbm>>) dst(%arg10 : memref<1x18432xf32, #tpu.memory_space<vmem>>)
      } else {
      }
      "tpu.region"() ({
        %run_scoped3A = tpu.sem_alloc : memref<!tpu.dma_semaphore, #tpu.memory_space<semaphore_mem>>
        %dma_start3A = arith.constant 0 : i32
        %dma_start3A_141 = tpu.memref_slice %arg6[%squeeze3A_96, %dma_start3A] : memref<20480x18432xf32, #tpu.memory_space<hbm>> -> memref<1x18432xf32, #tpu.memory_space<hbm>>
        %dma_start3A_142 = arith.constant 0 : i32
        %dma_start3A_143 = tpu.memref_slice %arg6[%squeeze3A_96, %dma_start3A_142] : memref<20480x18432xf32, #tpu.memory_space<hbm>> -> memref<1x18432xf32, #tpu.memory_space<hbm>>
        tpu.enqueue_dma source(%arg10 : memref<1x18432xf32, #tpu.memory_space<vmem>>) target(%dma_start3A_143 : memref<1x18432xf32, #tpu.memory_space<hbm>>) target_semaphore(%run_scoped3A : memref<!tpu.dma_semaphore, #tpu.memory_space<semaphore_mem>>)
        %dma_wait3A = arith.constant 0 : i32
        %dma_wait3A_144 = tpu.memref_slice %arg6[%squeeze3A_96, %dma_wait3A] : memref<20480x18432xf32, #tpu.memory_space<hbm>> -> memref<1x18432xf32, #tpu.memory_space<hbm>>
        %dma_wait3A_145 = arith.constant 0 : i32
        %dma_wait3A_146 = tpu.memref_slice %arg6[%squeeze3A_96, %dma_wait3A_145] : memref<20480x18432xf32, #tpu.memory_space<hbm>> -> memref<1x18432xf32, #tpu.memory_space<hbm>>
        tpu.wait_dma2 semaphore(%run_scoped3A : memref<!tpu.dma_semaphore, #tpu.memory_space<semaphore_mem>>) src(%arg10 : memref<1x18432xf32, #tpu.memory_space<vmem>>) dst(%dma_wait3A_146 : memref<1x18432xf32, #tpu.memory_space<hbm>>)
        tpu.yield
      }) : () -> ()
      %slice3A_101 = vector.extract_strided_slice %get3A_12 {offsets = [11], sizes = [1], strides = [1]} : vector<16xi32> to vector<1xi32>
      %squeeze3A_102 = vector.extract %slice3A_101[0] : i32 from vector<1xi32>
      %slice3A_103 = vector.extract_strided_slice %get3A_17 {offsets = [11], sizes = [1], strides = [1]} : vector<16xi32> to vector<1xi32>
      %squeeze3A_104 = vector.extract %slice3A_103[0] : i32 from vector<1xi32>
      %ne3A_105 = arith.cmpi ne, %squeeze3A_102, %squeeze3A_94 : i32
      %convert_element_type3A_106 = arith.extui %ne3A_105 : i1 to i32
      %cond3A_107 = arith.constant 0 : i32
      %cond3A_108 = arith.cmpi ne, %convert_element_type3A_106, %cond3A_107 : i32
      scf.if %cond3A_108 {
        %mul3A_141 = arith.constant 16 : i32
        %mul3A_142 = arith.muli %scan3A_7, %mul3A_141 : i32
        %add3A_143 = arith.constant 11 : i32
        %add3A_144 = arith.addi %mul3A_142, %add3A_143 : i32
        %dma_start3A = arith.constant 0 : i32
        %dma_start3A_145 = tpu.memref_slice %arg7[%add3A_144, %dma_start3A] : memref<640x1xi32, #tpu.memory_space<vmem>> -> memref<1x1xi32, #tpu.memory_space<vmem>>
        %dma_start3A_146 = tpu.memref_squeeze %dma_start3A_145 : memref<1x1xi32, #tpu.memory_space<vmem>> -> memref<1xi32, #tpu.memory_space<vmem>>
        %dma_start3A_147 = arith.constant 0 : i32
        %dma_start3A_148 = arith.constant 0 : i32
        %dma_start3A_149 = tpu.memref_slice %arg5[%dma_start3A_147, %dma_start3A_148] : memref<1000x18432xf32, #tpu.memory_space<hbm>> -> memref<1000x18432xf32, #tpu.memory_space<hbm>>
        tpu.enqueue_indirect_dma source(%dma_start3A_149 : memref<1000x18432xf32, #tpu.memory_space<hbm>>) target(%arg10 : memref<1x18432xf32, #tpu.memory_space<vmem>>) offsets(%dma_start3A_146 : memref<1xi32, #tpu.memory_space<vmem>>) semaphore(%arg11 : memref<!tpu.dma_semaphore, #tpu.memory_space<semaphore_mem>>)
        %dma_wait3A = arith.constant 0 : i32
        %dma_wait3A_150 = tpu.memref_slice %arg7[%add3A_144, %dma_wait3A] : memref<640x1xi32, #tpu.memory_space<vmem>> -> memref<1x1xi32, #tpu.memory_space<vmem>>
        %dma_wait3A_151 = tpu.memref_squeeze %dma_wait3A_150 : memref<1x1xi32, #tpu.memory_space<vmem>> -> memref<1xi32, #tpu.memory_space<vmem>>
        %dma_wait3A_152 = arith.constant 0 : i32
        %dma_wait3A_153 = arith.constant 0 : i32
        %dma_wait3A_154 = tpu.memref_slice %arg5[%dma_wait3A_152, %dma_wait3A_153] : memref<1000x18432xf32, #tpu.memory_space<hbm>> -> memref<1000x18432xf32, #tpu.memory_space<hbm>>
        tpu.wait_indirect_dma semaphore(%arg11 : memref<!tpu.dma_semaphore, #tpu.memory_space<semaphore_mem>>) src(%dma_wait3A_154 : memref<1000x18432xf32, #tpu.memory_space<hbm>>) dst(%arg10 : memref<1x18432xf32, #tpu.memory_space<vmem>>)
      } else {
      }
      "tpu.region"() ({
        %run_scoped3A = tpu.sem_alloc : memref<!tpu.dma_semaphore, #tpu.memory_space<semaphore_mem>>
        %dma_start3A = arith.constant 0 : i32
        %dma_start3A_141 = tpu.memref_slice %arg6[%squeeze3A_104, %dma_start3A] : memref<20480x18432xf32, #tpu.memory_space<hbm>> -> memref<1x18432xf32, #tpu.memory_space<hbm>>
        %dma_start3A_142 = arith.constant 0 : i32
        %dma_start3A_143 = tpu.memref_slice %arg6[%squeeze3A_104, %dma_start3A_142] : memref<20480x18432xf32, #tpu.memory_space<hbm>> -> memref<1x18432xf32, #tpu.memory_space<hbm>>
        tpu.enqueue_dma source(%arg10 : memref<1x18432xf32, #tpu.memory_space<vmem>>) target(%dma_start3A_143 : memref<1x18432xf32, #tpu.memory_space<hbm>>) target_semaphore(%run_scoped3A : memref<!tpu.dma_semaphore, #tpu.memory_space<semaphore_mem>>)
        %dma_wait3A = arith.constant 0 : i32
        %dma_wait3A_144 = tpu.memref_slice %arg6[%squeeze3A_104, %dma_wait3A] : memref<20480x18432xf32, #tpu.memory_space<hbm>> -> memref<1x18432xf32, #tpu.memory_space<hbm>>
        %dma_wait3A_145 = arith.constant 0 : i32
        %dma_wait3A_146 = tpu.memref_slice %arg6[%squeeze3A_104, %dma_wait3A_145] : memref<20480x18432xf32, #tpu.memory_space<hbm>> -> memref<1x18432xf32, #tpu.memory_space<hbm>>
        tpu.wait_dma2 semaphore(%run_scoped3A : memref<!tpu.dma_semaphore, #tpu.memory_space<semaphore_mem>>) src(%arg10 : memref<1x18432xf32, #tpu.memory_space<vmem>>) dst(%dma_wait3A_146 : memref<1x18432xf32, #tpu.memory_space<hbm>>)
        tpu.yield
      }) : () -> ()
      %slice3A_109 = vector.extract_strided_slice %get3A_12 {offsets = [12], sizes = [1], strides = [1]} : vector<16xi32> to vector<1xi32>
      %squeeze3A_110 = vector.extract %slice3A_109[0] : i32 from vector<1xi32>
      %slice3A_111 = vector.extract_strided_slice %get3A_17 {offsets = [12], sizes = [1], strides = [1]} : vector<16xi32> to vector<1xi32>
      %squeeze3A_112 = vector.extract %slice3A_111[0] : i32 from vector<1xi32>
      %ne3A_113 = arith.cmpi ne, %squeeze3A_110, %squeeze3A_102 : i32
      %convert_element_type3A_114 = arith.extui %ne3A_113 : i1 to i32
      %cond3A_115 = arith.constant 0 : i32
      %cond3A_116 = arith.cmpi ne, %convert_element_type3A_114, %cond3A_115 : i32
      scf.if %cond3A_116 {
        %mul3A_141 = arith.constant 16 : i32
        %mul3A_142 = arith.muli %scan3A_7, %mul3A_141 : i32
        %add3A_143 = arith.constant 12 : i32
        %add3A_144 = arith.addi %mul3A_142, %add3A_143 : i32
        %dma_start3A = arith.constant 0 : i32
        %dma_start3A_145 = tpu.memref_slice %arg7[%add3A_144, %dma_start3A] : memref<640x1xi32, #tpu.memory_space<vmem>> -> memref<1x1xi32, #tpu.memory_space<vmem>>
        %dma_start3A_146 = tpu.memref_squeeze %dma_start3A_145 : memref<1x1xi32, #tpu.memory_space<vmem>> -> memref<1xi32, #tpu.memory_space<vmem>>
        %dma_start3A_147 = arith.constant 0 : i32
        %dma_start3A_148 = arith.constant 0 : i32
        %dma_start3A_149 = tpu.memref_slice %arg5[%dma_start3A_147, %dma_start3A_148] : memref<1000x18432xf32, #tpu.memory_space<hbm>> -> memref<1000x18432xf32, #tpu.memory_space<hbm>>
        tpu.enqueue_indirect_dma source(%dma_start3A_149 : memref<1000x18432xf32, #tpu.memory_space<hbm>>) target(%arg10 : memref<1x18432xf32, #tpu.memory_space<vmem>>) offsets(%dma_start3A_146 : memref<1xi32, #tpu.memory_space<vmem>>) semaphore(%arg11 : memref<!tpu.dma_semaphore, #tpu.memory_space<semaphore_mem>>)
        %dma_wait3A = arith.constant 0 : i32
        %dma_wait3A_150 = tpu.memref_slice %arg7[%add3A_144, %dma_wait3A] : memref<640x1xi32, #tpu.memory_space<vmem>> -> memref<1x1xi32, #tpu.memory_space<vmem>>
        %dma_wait3A_151 = tpu.memref_squeeze %dma_wait3A_150 : memref<1x1xi32, #tpu.memory_space<vmem>> -> memref<1xi32, #tpu.memory_space<vmem>>
        %dma_wait3A_152 = arith.constant 0 : i32
        %dma_wait3A_153 = arith.constant 0 : i32
        %dma_wait3A_154 = tpu.memref_slice %arg5[%dma_wait3A_152, %dma_wait3A_153] : memref<1000x18432xf32, #tpu.memory_space<hbm>> -> memref<1000x18432xf32, #tpu.memory_space<hbm>>
        tpu.wait_indirect_dma semaphore(%arg11 : memref<!tpu.dma_semaphore, #tpu.memory_space<semaphore_mem>>) src(%dma_wait3A_154 : memref<1000x18432xf32, #tpu.memory_space<hbm>>) dst(%arg10 : memref<1x18432xf32, #tpu.memory_space<vmem>>)
      } else {
      }
      "tpu.region"() ({
        %run_scoped3A = tpu.sem_alloc : memref<!tpu.dma_semaphore, #tpu.memory_space<semaphore_mem>>
        %dma_start3A = arith.constant 0 : i32
        %dma_start3A_141 = tpu.memref_slice %arg6[%squeeze3A_112, %dma_start3A] : memref<20480x18432xf32, #tpu.memory_space<hbm>> -> memref<1x18432xf32, #tpu.memory_space<hbm>>
        %dma_start3A_142 = arith.constant 0 : i32
        %dma_start3A_143 = tpu.memref_slice %arg6[%squeeze3A_112, %dma_start3A_142] : memref<20480x18432xf32, #tpu.memory_space<hbm>> -> memref<1x18432xf32, #tpu.memory_space<hbm>>
        tpu.enqueue_dma source(%arg10 : memref<1x18432xf32, #tpu.memory_space<vmem>>) target(%dma_start3A_143 : memref<1x18432xf32, #tpu.memory_space<hbm>>) target_semaphore(%run_scoped3A : memref<!tpu.dma_semaphore, #tpu.memory_space<semaphore_mem>>)
        %dma_wait3A = arith.constant 0 : i32
        %dma_wait3A_144 = tpu.memref_slice %arg6[%squeeze3A_112, %dma_wait3A] : memref<20480x18432xf32, #tpu.memory_space<hbm>> -> memref<1x18432xf32, #tpu.memory_space<hbm>>
        %dma_wait3A_145 = arith.constant 0 : i32
        %dma_wait3A_146 = tpu.memref_slice %arg6[%squeeze3A_112, %dma_wait3A_145] : memref<20480x18432xf32, #tpu.memory_space<hbm>> -> memref<1x18432xf32, #tpu.memory_space<hbm>>
        tpu.wait_dma2 semaphore(%run_scoped3A : memref<!tpu.dma_semaphore, #tpu.memory_space<semaphore_mem>>) src(%arg10 : memref<1x18432xf32, #tpu.memory_space<vmem>>) dst(%dma_wait3A_146 : memref<1x18432xf32, #tpu.memory_space<hbm>>)
        tpu.yield
      }) : () -> ()
      %slice3A_117 = vector.extract_strided_slice %get3A_12 {offsets = [13], sizes = [1], strides = [1]} : vector<16xi32> to vector<1xi32>
      %squeeze3A_118 = vector.extract %slice3A_117[0] : i32 from vector<1xi32>
      %slice3A_119 = vector.extract_strided_slice %get3A_17 {offsets = [13], sizes = [1], strides = [1]} : vector<16xi32> to vector<1xi32>
      %squeeze3A_120 = vector.extract %slice3A_119[0] : i32 from vector<1xi32>
      %ne3A_121 = arith.cmpi ne, %squeeze3A_118, %squeeze3A_110 : i32
      %convert_element_type3A_122 = arith.extui %ne3A_121 : i1 to i32
      %cond3A_123 = arith.constant 0 : i32
      %cond3A_124 = arith.cmpi ne, %convert_element_type3A_122, %cond3A_123 : i32
      scf.if %cond3A_124 {
        %mul3A_141 = arith.constant 16 : i32
        %mul3A_142 = arith.muli %scan3A_7, %mul3A_141 : i32
        %add3A_143 = arith.constant 13 : i32
        %add3A_144 = arith.addi %mul3A_142, %add3A_143 : i32
        %dma_start3A = arith.constant 0 : i32
        %dma_start3A_145 = tpu.memref_slice %arg7[%add3A_144, %dma_start3A] : memref<640x1xi32, #tpu.memory_space<vmem>> -> memref<1x1xi32, #tpu.memory_space<vmem>>
        %dma_start3A_146 = tpu.memref_squeeze %dma_start3A_145 : memref<1x1xi32, #tpu.memory_space<vmem>> -> memref<1xi32, #tpu.memory_space<vmem>>
        %dma_start3A_147 = arith.constant 0 : i32
        %dma_start3A_148 = arith.constant 0 : i32
        %dma_start3A_149 = tpu.memref_slice %arg5[%dma_start3A_147, %dma_start3A_148] : memref<1000x18432xf32, #tpu.memory_space<hbm>> -> memref<1000x18432xf32, #tpu.memory_space<hbm>>
        tpu.enqueue_indirect_dma source(%dma_start3A_149 : memref<1000x18432xf32, #tpu.memory_space<hbm>>) target(%arg10 : memref<1x18432xf32, #tpu.memory_space<vmem>>) offsets(%dma_start3A_146 : memref<1xi32, #tpu.memory_space<vmem>>) semaphore(%arg11 : memref<!tpu.dma_semaphore, #tpu.memory_space<semaphore_mem>>)
        %dma_wait3A = arith.constant 0 : i32
        %dma_wait3A_150 = tpu.memref_slice %arg7[%add3A_144, %dma_wait3A] : memref<640x1xi32, #tpu.memory_space<vmem>> -> memref<1x1xi32, #tpu.memory_space<vmem>>
        %dma_wait3A_151 = tpu.memref_squeeze %dma_wait3A_150 : memref<1x1xi32, #tpu.memory_space<vmem>> -> memref<1xi32, #tpu.memory_space<vmem>>
        %dma_wait3A_152 = arith.constant 0 : i32
        %dma_wait3A_153 = arith.constant 0 : i32
        %dma_wait3A_154 = tpu.memref_slice %arg5[%dma_wait3A_152, %dma_wait3A_153] : memref<1000x18432xf32, #tpu.memory_space<hbm>> -> memref<1000x18432xf32, #tpu.memory_space<hbm>>
        tpu.wait_indirect_dma semaphore(%arg11 : memref<!tpu.dma_semaphore, #tpu.memory_space<semaphore_mem>>) src(%dma_wait3A_154 : memref<1000x18432xf32, #tpu.memory_space<hbm>>) dst(%arg10 : memref<1x18432xf32, #tpu.memory_space<vmem>>)
      } else {
      }
      "tpu.region"() ({
        %run_scoped3A = tpu.sem_alloc : memref<!tpu.dma_semaphore, #tpu.memory_space<semaphore_mem>>
        %dma_start3A = arith.constant 0 : i32
        %dma_start3A_141 = tpu.memref_slice %arg6[%squeeze3A_120, %dma_start3A] : memref<20480x18432xf32, #tpu.memory_space<hbm>> -> memref<1x18432xf32, #tpu.memory_space<hbm>>
        %dma_start3A_142 = arith.constant 0 : i32
        %dma_start3A_143 = tpu.memref_slice %arg6[%squeeze3A_120, %dma_start3A_142] : memref<20480x18432xf32, #tpu.memory_space<hbm>> -> memref<1x18432xf32, #tpu.memory_space<hbm>>
        tpu.enqueue_dma source(%arg10 : memref<1x18432xf32, #tpu.memory_space<vmem>>) target(%dma_start3A_143 : memref<1x18432xf32, #tpu.memory_space<hbm>>) target_semaphore(%run_scoped3A : memref<!tpu.dma_semaphore, #tpu.memory_space<semaphore_mem>>)
        %dma_wait3A = arith.constant 0 : i32
        %dma_wait3A_144 = tpu.memref_slice %arg6[%squeeze3A_120, %dma_wait3A] : memref<20480x18432xf32, #tpu.memory_space<hbm>> -> memref<1x18432xf32, #tpu.memory_space<hbm>>
        %dma_wait3A_145 = arith.constant 0 : i32
        %dma_wait3A_146 = tpu.memref_slice %arg6[%squeeze3A_120, %dma_wait3A_145] : memref<20480x18432xf32, #tpu.memory_space<hbm>> -> memref<1x18432xf32, #tpu.memory_space<hbm>>
        tpu.wait_dma2 semaphore(%run_scoped3A : memref<!tpu.dma_semaphore, #tpu.memory_space<semaphore_mem>>) src(%arg10 : memref<1x18432xf32, #tpu.memory_space<vmem>>) dst(%dma_wait3A_146 : memref<1x18432xf32, #tpu.memory_space<hbm>>)
        tpu.yield
      }) : () -> ()
      %slice3A_125 = vector.extract_strided_slice %get3A_12 {offsets = [14], sizes = [1], strides = [1]} : vector<16xi32> to vector<1xi32>
      %squeeze3A_126 = vector.extract %slice3A_125[0] : i32 from vector<1xi32>
      %slice3A_127 = vector.extract_strided_slice %get3A_17 {offsets = [14], sizes = [1], strides = [1]} : vector<16xi32> to vector<1xi32>
      %squeeze3A_128 = vector.extract %slice3A_127[0] : i32 from vector<1xi32>
      %ne3A_129 = arith.cmpi ne, %squeeze3A_126, %squeeze3A_118 : i32
      %convert_element_type3A_130 = arith.extui %ne3A_129 : i1 to i32
      %cond3A_131 = arith.constant 0 : i32
      %cond3A_132 = arith.cmpi ne, %convert_element_type3A_130, %cond3A_131 : i32
      scf.if %cond3A_132 {
        %mul3A_141 = arith.constant 16 : i32
        %mul3A_142 = arith.muli %scan3A_7, %mul3A_141 : i32
        %add3A_143 = arith.constant 14 : i32
        %add3A_144 = arith.addi %mul3A_142, %add3A_143 : i32
        %dma_start3A = arith.constant 0 : i32
        %dma_start3A_145 = tpu.memref_slice %arg7[%add3A_144, %dma_start3A] : memref<640x1xi32, #tpu.memory_space<vmem>> -> memref<1x1xi32, #tpu.memory_space<vmem>>
        %dma_start3A_146 = tpu.memref_squeeze %dma_start3A_145 : memref<1x1xi32, #tpu.memory_space<vmem>> -> memref<1xi32, #tpu.memory_space<vmem>>
        %dma_start3A_147 = arith.constant 0 : i32
        %dma_start3A_148 = arith.constant 0 : i32
        %dma_start3A_149 = tpu.memref_slice %arg5[%dma_start3A_147, %dma_start3A_148] : memref<1000x18432xf32, #tpu.memory_space<hbm>> -> memref<1000x18432xf32, #tpu.memory_space<hbm>>
        tpu.enqueue_indirect_dma source(%dma_start3A_149 : memref<1000x18432xf32, #tpu.memory_space<hbm>>) target(%arg10 : memref<1x18432xf32, #tpu.memory_space<vmem>>) offsets(%dma_start3A_146 : memref<1xi32, #tpu.memory_space<vmem>>) semaphore(%arg11 : memref<!tpu.dma_semaphore, #tpu.memory_space<semaphore_mem>>)
        %dma_wait3A = arith.constant 0 : i32
        %dma_wait3A_150 = tpu.memref_slice %arg7[%add3A_144, %dma_wait3A] : memref<640x1xi32, #tpu.memory_space<vmem>> -> memref<1x1xi32, #tpu.memory_space<vmem>>
        %dma_wait3A_151 = tpu.memref_squeeze %dma_wait3A_150 : memref<1x1xi32, #tpu.memory_space<vmem>> -> memref<1xi32, #tpu.memory_space<vmem>>
        %dma_wait3A_152 = arith.constant 0 : i32
        %dma_wait3A_153 = arith.constant 0 : i32
        %dma_wait3A_154 = tpu.memref_slice %arg5[%dma_wait3A_152, %dma_wait3A_153] : memref<1000x18432xf32, #tpu.memory_space<hbm>> -> memref<1000x18432xf32, #tpu.memory_space<hbm>>
        tpu.wait_indirect_dma semaphore(%arg11 : memref<!tpu.dma_semaphore, #tpu.memory_space<semaphore_mem>>) src(%dma_wait3A_154 : memref<1000x18432xf32, #tpu.memory_space<hbm>>) dst(%arg10 : memref<1x18432xf32, #tpu.memory_space<vmem>>)
      } else {
      }
      "tpu.region"() ({
        %run_scoped3A = tpu.sem_alloc : memref<!tpu.dma_semaphore, #tpu.memory_space<semaphore_mem>>
        %dma_start3A = arith.constant 0 : i32
        %dma_start3A_141 = tpu.memref_slice %arg6[%squeeze3A_128, %dma_start3A] : memref<20480x18432xf32, #tpu.memory_space<hbm>> -> memref<1x18432xf32, #tpu.memory_space<hbm>>
        %dma_start3A_142 = arith.constant 0 : i32
        %dma_start3A_143 = tpu.memref_slice %arg6[%squeeze3A_128, %dma_start3A_142] : memref<20480x18432xf32, #tpu.memory_space<hbm>> -> memref<1x18432xf32, #tpu.memory_space<hbm>>
        tpu.enqueue_dma source(%arg10 : memref<1x18432xf32, #tpu.memory_space<vmem>>) target(%dma_start3A_143 : memref<1x18432xf32, #tpu.memory_space<hbm>>) target_semaphore(%run_scoped3A : memref<!tpu.dma_semaphore, #tpu.memory_space<semaphore_mem>>)
        %dma_wait3A = arith.constant 0 : i32
        %dma_wait3A_144 = tpu.memref_slice %arg6[%squeeze3A_128, %dma_wait3A] : memref<20480x18432xf32, #tpu.memory_space<hbm>> -> memref<1x18432xf32, #tpu.memory_space<hbm>>
        %dma_wait3A_145 = arith.constant 0 : i32
        %dma_wait3A_146 = tpu.memref_slice %arg6[%squeeze3A_128, %dma_wait3A_145] : memref<20480x18432xf32, #tpu.memory_space<hbm>> -> memref<1x18432xf32, #tpu.memory_space<hbm>>
        tpu.wait_dma2 semaphore(%run_scoped3A : memref<!tpu.dma_semaphore, #tpu.memory_space<semaphore_mem>>) src(%arg10 : memref<1x18432xf32, #tpu.memory_space<vmem>>) dst(%dma_wait3A_146 : memref<1x18432xf32, #tpu.memory_space<hbm>>)
        tpu.yield
      }) : () -> ()
      %slice3A_133 = vector.extract_strided_slice %get3A_12 {offsets = [15], sizes = [1], strides = [1]} : vector<16xi32> to vector<1xi32>
      %squeeze3A_134 = vector.extract %slice3A_133[0] : i32 from vector<1xi32>
      %slice3A_135 = vector.extract_strided_slice %get3A_17 {offsets = [15], sizes = [1], strides = [1]} : vector<16xi32> to vector<1xi32>
      %squeeze3A_136 = vector.extract %slice3A_135[0] : i32 from vector<1xi32>
      %ne3A_137 = arith.cmpi ne, %squeeze3A_134, %squeeze3A_126 : i32
      %convert_element_type3A_138 = arith.extui %ne3A_137 : i1 to i32
      %cond3A_139 = arith.constant 0 : i32
      %cond3A_140 = arith.cmpi ne, %convert_element_type3A_138, %cond3A_139 : i32
      scf.if %cond3A_140 {
        %mul3A_141 = arith.constant 16 : i32
        %mul3A_142 = arith.muli %scan3A_7, %mul3A_141 : i32
        %add3A_143 = arith.constant 15 : i32
        %add3A_144 = arith.addi %mul3A_142, %add3A_143 : i32
        %dma_start3A = arith.constant 0 : i32
        %dma_start3A_145 = tpu.memref_slice %arg7[%add3A_144, %dma_start3A] : memref<640x1xi32, #tpu.memory_space<vmem>> -> memref<1x1xi32, #tpu.memory_space<vmem>>
        %dma_start3A_146 = tpu.memref_squeeze %dma_start3A_145 : memref<1x1xi32, #tpu.memory_space<vmem>> -> memref<1xi32, #tpu.memory_space<vmem>>
        %dma_start3A_147 = arith.constant 0 : i32
        %dma_start3A_148 = arith.constant 0 : i32
        %dma_start3A_149 = tpu.memref_slice %arg5[%dma_start3A_147, %dma_start3A_148] : memref<1000x18432xf32, #tpu.memory_space<hbm>> -> memref<1000x18432xf32, #tpu.memory_space<hbm>>
        tpu.enqueue_indirect_dma source(%dma_start3A_149 : memref<1000x18432xf32, #tpu.memory_space<hbm>>) target(%arg10 : memref<1x18432xf32, #tpu.memory_space<vmem>>) offsets(%dma_start3A_146 : memref<1xi32, #tpu.memory_space<vmem>>) semaphore(%arg11 : memref<!tpu.dma_semaphore, #tpu.memory_space<semaphore_mem>>)
        %dma_wait3A = arith.constant 0 : i32
        %dma_wait3A_150 = tpu.memref_slice %arg7[%add3A_144, %dma_wait3A] : memref<640x1xi32, #tpu.memory_space<vmem>> -> memref<1x1xi32, #tpu.memory_space<vmem>>
        %dma_wait3A_151 = tpu.memref_squeeze %dma_wait3A_150 : memref<1x1xi32, #tpu.memory_space<vmem>> -> memref<1xi32, #tpu.memory_space<vmem>>
        %dma_wait3A_152 = arith.constant 0 : i32
        %dma_wait3A_153 = arith.constant 0 : i32
        %dma_wait3A_154 = tpu.memref_slice %arg5[%dma_wait3A_152, %dma_wait3A_153] : memref<1000x18432xf32, #tpu.memory_space<hbm>> -> memref<1000x18432xf32, #tpu.memory_space<hbm>>
        tpu.wait_indirect_dma semaphore(%arg11 : memref<!tpu.dma_semaphore, #tpu.memory_space<semaphore_mem>>) src(%dma_wait3A_154 : memref<1000x18432xf32, #tpu.memory_space<hbm>>) dst(%arg10 : memref<1x18432xf32, #tpu.memory_space<vmem>>)
      } else {
      }
      "tpu.region"() ({
        %run_scoped3A = tpu.sem_alloc : memref<!tpu.dma_semaphore, #tpu.memory_space<semaphore_mem>>
        %dma_start3A = arith.constant 0 : i32
        %dma_start3A_141 = tpu.memref_slice %arg6[%squeeze3A_136, %dma_start3A] : memref<20480x18432xf32, #tpu.memory_space<hbm>> -> memref<1x18432xf32, #tpu.memory_space<hbm>>
        %dma_start3A_142 = arith.constant 0 : i32
        %dma_start3A_143 = tpu.memref_slice %arg6[%squeeze3A_136, %dma_start3A_142] : memref<20480x18432xf32, #tpu.memory_space<hbm>> -> memref<1x18432xf32, #tpu.memory_space<hbm>>
        tpu.enqueue_dma source(%arg10 : memref<1x18432xf32, #tpu.memory_space<vmem>>) target(%dma_start3A_143 : memref<1x18432xf32, #tpu.memory_space<hbm>>) target_semaphore(%run_scoped3A : memref<!tpu.dma_semaphore, #tpu.memory_space<semaphore_mem>>)
        %dma_wait3A = arith.constant 0 : i32
        %dma_wait3A_144 = tpu.memref_slice %arg6[%squeeze3A_136, %dma_wait3A] : memref<20480x18432xf32, #tpu.memory_space<hbm>> -> memref<1x18432xf32, #tpu.memory_space<hbm>>
        %dma_wait3A_145 = arith.constant 0 : i32
        %dma_wait3A_146 = tpu.memref_slice %arg6[%squeeze3A_136, %dma_wait3A_145] : memref<20480x18432xf32, #tpu.memory_space<hbm>> -> memref<1x18432xf32, #tpu.memory_space<hbm>>
        tpu.wait_dma2 semaphore(%run_scoped3A : memref<!tpu.dma_semaphore, #tpu.memory_space<semaphore_mem>>) src(%arg10 : memref<1x18432xf32, #tpu.memory_space<vmem>>) dst(%dma_wait3A_146 : memref<1x18432xf32, #tpu.memory_space<hbm>>)
        tpu.yield
      }) : () -> ()
      scf.yield %squeeze3A_134 : i32
    }
    %scan3A_6 = arith.constant 40 : i32
    return
  }
}

</mosaic_0001>

<sc_bundles>
// kernel: kernel.3.cloned.1.call-start
scs
__scs_entry_jumppad:
0x0: {  	(pc) =	sbr.rel $0x88, $3  }
0x1: {  	(tag) =	ssettag $0x0;
	lr =	simm.s32 $0x1  }
0x2: {  	[smem:$0x3F9F] =	sst lr;
	_ =	strace $0xD0000000  }
0x3: {  	_ = 	snop  }
0x4: {  	_ = 	snop  }
0x5: {  	_ = 	snop  }
0x6: {  	_ = 	snop  }
0x7: {  	_ = 	snop  }
__scs_overlays_trampoline_lowered:
0x8: {  	[smem:$0x3FAE] =	sst s0  }
0x9: {  	[smem:$0x3FAF] =	sst s1  }
0xa: {  	[smem:$0x3FB0] =	sst s2  }
0xb: {  	[smem:$0x3FB1] =	sst s3  }
0xc: {  	[smem:$0x3FB2] =	sst s4  }
0xd: {  	[smem:$0x3FB3] =	sst s5  }
0xe: {  	[smem:$0x3FB4] =	sst s6  }
0xf: {  	[smem:$0x3FB5] =	sst s7  }
0x10: {  	[smem:$0x3FB6] =	sst s8  }
0x11: {  	[smem:$0x3FB7] =	sst s9;
	s0 =	simm.s32 @!p0 $0x0  }
0x12: {  	s1 =	sld [smem:$0x3F9D];
	s0 =	simm.s32 @p0 $0x1  }
0x13: {  	[smem:$0x3FB8] =	sst s0;
	s0 =	simm.s32 @!p1 $0x0  }
0x14: {  	s2 =	sld [smem:$0x3F9C];
	s0 =	simm.s32 @p1 $0x1  }
0x15: {  	[smem:$0x3FB9] =	sst s0;
	s0 =	simm.s32 @!p2 $0x0  }
0x16: {  	s3 =	sld [smem:$0x3FDB];
	s0 =	simm.s32 @p2 $0x1  }
0x17: {  	s4 =	simm.s32 $0x1BF5;
	[smem:$0x3FBB] =	sst s0  }
0x18: {  	s0 =	sld [smem:$0x3F9E];
	_ =	swait.ge [sflag:s4], $0x0  }
0x19: {  	s7 =	sld [smem:$0x3F9F]  }
0x1a: {  	s8 =	sadd.s32 $0xFFFFE003, lr  }
0x1b: {  	s9 =	sadd.s32 $0xFFFFFEF7, lr;
	s5 =	simm.s32 $0xFFFFFFFF;
	p2 =	slt.u32 s8, $0xFFFFF086  }
0x1c: {  	p1 =	slt.u32 s9, $0xF7A;
	s5 =	simm.s32 @!p2 $0x0  }
0x1d: {  	s5 =	simm.s32 @p1 $0x1;
	p0 =	seq.s32 s7, s2  }
0x1e: {  	s7 =	smul.u32 @!p0 $0xF7A, s2;
	p2 =	seq.s32 @!p0 s5, $0x0  }
0x1f: {  	s9 =	smul.u32 $0xF7A, s1;
	s8 =	simm.s32 @!p0 $0x1BF5;
	p2 =	por !p2, p0  }
0x20: {  	[sflag:s8] =	ssyncset.s32 @!p0 $0xFFFFF086;
	s6 =	sadd.s32 @!p0 s3, s7;
	s7 =	simm.s32 @!p0 $0x108  }
0x21: {  	s3 =	sadd.s32 s3, s9;
	s6 =	sadd.s32 @!p0 $0x88, s6;
	s7 =	simm.s32 @p2 $0x1082  }
0x22: {  	[simem:s7], [sflag:s8] =	dma.local @!p0 [hbm:s6], $0xF7A  }
0x23: {  	s9 =	sor.u32 $0xD0000000, s2;
	s6 =	simm.s32 $0x108;
	_ =	swait.ge @!p0 [sflag:s8], $0x0  }
0x24: {  	s3 =	sadd.s32 $0x88, s3;
	s6 =	simm.s32 @!p1 $0x1082;
	[sflag:s4] =	ssyncset.s32 $0xFFFFF086  }
0x25: {  	[simem:s6], [sflag:s4] =	dma.local [hbm:s3], $0xF7A  }
0x26: {  	[smem:$0x3F9F] =	sst s1;
	(tag) =	ssettag s2;
	_ =	strace s9  }
0x27: {  	s1 =	sld [smem:$0x3FAF]  }
0x28: {  	s2 =	sld [smem:$0x3FB0]  }
0x29: {  	s4 =	sld [smem:$0x3FB2]  }
0x2a: {  	p0 =	seq.s32 s5, $0x0;
	s5 =	sld [smem:$0x3FB3]  }
0x2b: {  	s6 =	sld [smem:$0x3FB4]  }
0x2c: {  	s7 =	sld [smem:$0x3FB5]  }
0x2d: {  	s3 =	simm.s32 $0x108;
	s8 =	sld [smem:$0x3FB6]  }
0x2e: {  	s3 =	simm.s32 @!p0 $0x1082;
	s9 =	sld [smem:$0x3FB7]  }
0x2f: {  	lr =	sadd.s32 s0, s3;
	s0 =	sld [smem:$0x3FAE]  }
0x30: {  	s3 =	sld [smem:$0x3FB1]  }
0x31: {  	[smem:$0x3FBA] =	sst s10  }
0x32: {  	s10 =	sld [smem:$0x3FB8];
	_ =	sdelay $0x3  }
0x33: {  	p0 =	seq.s32 s10, $0x1;
	s10 =	sld [smem:$0x3FBA];
	_ =	sdelay $0x3  }
0x34: {  	[smem:$0x3FBA] =	sst s10  }
0x35: {  	s10 =	sld [smem:$0x3FB9];
	_ =	sdelay $0x3  }
0x36: {  	p1 =	seq.s32 s10, $0x1;
	s10 =	sld [smem:$0x3FBA];
	_ =	sdelay $0x3  }
0x37: {  	[smem:$0x3FBA] =	sst s10  }
0x38: {  	s10 =	sld [smem:$0x3FBB]  }
0x39: {  	_ = 	snop;
	(pc) =	sbr.ind lr, $3  }
0x3a: {  	_ = 	snop  }
0x3b: {  	_ = 	snop  }
0x3c: {  	p2 =	seq.s32 s10, $0x1;
	s10 =	sld [smem:$0x3FBA]  }
0x3d: {  	_ =	shalt  }
0x3e: {  	_ =	shalt  }
0x3f: {  	_ =	shalt  }
0x40: {  	_ =	shalt  }
0x41: {  	_ =	shalt  }
0x42: {  	_ =	shalt  }
0x43: {  	_ =	shalt  }
0x44: {  	_ =	shalt  }
0x45: {  	_ =	shalt  }
0x46: {  	_ =	shalt  }
0x47: {  	_ =	shalt  }
0x48: {  	_ =	shalt  }
0x49: {  	_ =	shalt  }
0x4a: {  	_ =	shalt  }
0x4b: {  	_ =	shalt  }
0x4c: {  	_ =	shalt  }
0x4d: {  	_ =	shalt  }
0x4e: {  	_ =	shalt  }
0x4f: {  	_ =	shalt  }
0x50: {  	_ =	shalt  }
0x51: {  	_ =	shalt  }
0x52: {  	_ =	shalt  }
0x53: {  	_ =	shalt  }
0x54: {  	_ =	shalt  }
0x55: {  	_ =	shalt  }
0x56: {  	_ =	shalt  }
0x57: {  	_ =	shalt  }
0x58: {  	_ =	shalt  }
0x59: {  	_ =	shalt  }
0x5a: {  	_ =	shalt  }
0x5b: {  	_ =	shalt  }
0x5c: {  	_ =	shalt  }
0x5d: {  	_ =	shalt  }
0x5e: {  	_ =	shalt  }
0x5f: {  	_ =	shalt  }
0x60: {  	_ =	shalt  }
0x61: {  	_ =	shalt  }
0x62: {  	_ =	shalt  }
0x63: {  	_ =	shalt  }
0x64: {  	_ =	shalt  }
0x65: {  	_ =	shalt  }
0x66: {  	_ =	shalt  }
0x67: {  	_ =	shalt  }
0x68: {  	_ =	shalt  }
0x69: {  	_ =	shalt  }
0x6a: {  	_ =	shalt  }
0x6b: {  	_ =	shalt  }
0x6c: {  	_ =	shalt  }
0x6d: {  	_ =	shalt  }
0x6e: {  	_ =	shalt  }
0x6f: {  	_ =	shalt  }
0x70: {  	_ =	shalt  }
0x71: {  	_ =	shalt  }
0x72: {  	_ =	shalt  }
0x73: {  	_ =	shalt  }
0x74: {  	_ =	shalt  }
0x75: {  	_ =	shalt  }
0x76: {  	_ =	shalt  }
0x77: {  	_ =	shalt  }
0x78: {  	_ =	shalt  }
0x79: {  	_ =	shalt  }
0x7a: {  	_ =	shalt  }
0x7b: {  	_ =	shalt  }
0x7c: {  	_ =	shalt  }
0x7d: {  	_ =	shalt  }
0x7e: {  	_ =	shalt  }
0x7f: {  	_ =	shalt  }
0x80: {  	_ =	shalt  }
0x81: {  	_ =	shalt  }
0x82: {  	_ =	shalt  }
0x83: {  	_ =	shalt  }
0x84: {  	_ =	shalt  }
0x85: {  	_ =	shalt  }
0x86: {  	_ =	shalt  }
0x87: {  	_ =	shalt  }
.Lfunc_end0:
.L_simem_size_0:
called_computation_lowered:
.L_overlay_start_0:
0x88: {  	s2 =	sld [smem:$0x3FD9]  }
0x89: {  	s3 =	sld [smem:$0x3FFE];
	_ =	sdelay $0x1  }
0x8a: {  	s1 =	srdreg.scid  }
0x8b: {  	s0 =	sand.u32 $0x1, s1  }
0x8c: {  	s17 =	sshll.u32 s0, $0xA;
	s2 =	sadd.s32 s3, s2  }
0x8d: {  	s2 =	sadd.s32 s2, s17  }
0x8e: {  	[smem:$0x3FC6] =	sst s2  }
0x8f: {  	_ = 	snop  }
0x90: {  	s2 =	sld [smem:$0x3FC8]  }
0x91: {  	s18 =	sld [smem:$0x3FD0];
	(tm) =	ssettm $0x1  }
0x92: {  	s4 =	sld [smem:$0x3FFB];
	_ =	sdelay $0x3  }
0x93: {  	_ =	strace s4  }
0x94: {  	s4 =	sld [smem:$0x3FFC];
	_ =	sdelay $0x3  }
0x95: {  	_ =	strace s4  }
0x96: {  	s4 =	sld [smem:$0x3FFD];
	_ =	sdelay $0x3  }
0x97: {  	_ =	strace s4  }
0x98: {  	_ =	strace $0x8FFFFFFF  }
0x99: {  	s19 =	sld [smem:$0x3FDB];
	_ =	sdelay $0x1  }
0x9a: {  	s5 =	simm.s32 $_scs_section_size  }
0x9b: {  	s6 =	simm.s32 $_size__tile_overlayer_lowered;
	s7 =	simm.s32 $_tile_overlayer_lowered  }
0x9c: {  	s22 =	simm.s32 $0x1BFF;
	s21 =	sshll.u32 s7, $0x1;
	s4 =	sadd.s32 s5, s19  }
0x9d: {  	s8 =	simm.s32 $0x0;
	s20 =	sshll.u32 s6, $0x1;
	s6 =	sadd.s32 s21, s4  }
0x9e: {  	[timem:s8], [sflag:s22] =	dma.local [hbm:s6], s20  }
0x9f: {  	_ =	swait.ge [sflag:s22], s20  }
0xa0: {  	s5 =	ssub.s32 $0x0, s20;
	[sflag:s22] =	ssyncset.done $0x0  }
0xa1: {  	[sflag:s22] =	ssyncadd.s32 s5;
	_ =	sdelay $0x1  }
0xa2: {  	s23 =	simm.s32 $0x1B8B  }
0xa3: {  	_ =	swait.ge [sflag:s23], $0x1  }
0xa4: {  	[sflag:s23] =	ssyncset.done $0x0  }
0xa5: {  	s25 =	simm.s32 $0x1B8E;
	s24 =	sld [smem:$0x3FFE];
	[sflag:s23] =	ssyncadd.s32 $0xFFFFFFFF  }
0xa6: {  	s26 =	simm.s32 $execute0_lowered;
	[smem:$0x3FD2] =	sst s25  }
0xa7: {  	s6 =	sshll.u32 s26, $0x1;
	_ =	strace $0x80000046;
	[dreg:$0x1] =	wrdreg $0xFFFFFFFF  }
0xa8: {  	s28 =	simm.s32 $_size_execute0_lowered;
	s4 =	sadd.s32 s4, s6;
	[dreg:$0x0] =	wrdreg $0x0  }
0xa9: {  	s6 =	sshll.u32 s28, $0x1;
	[dreg:$0x2] =	wrdreg s4  }
0xaa: {  	[dreg:$0x3] =	wrdreg s6  }
0xab: {  	[dreg:$0x4] =	wrdreg $0xC0  }
0xac: {  	_ =	task [dreg:s8], $0x5FFFF  }
0xad: {  	[dreg:$0x1] =	wrdreg $0xFFFFFFFF  }
0xae: {  	[dreg:$0x0] =	wrdreg $0x60  }
0xaf: {  	[dreg:$0x2] =	wrdreg s24  }
0xb0: {  	[dreg:$0x3] =	wrdreg s2  }
0xb1: {  	[dreg:$0x4] =	wrdreg s18  }
0xb2: {  	[dreg:$0x5] =	wrdreg $0x9  }
0xb3: {  	_ =	task.clear_ibuf [dreg:s8], $0x6FFFF;
	_ =	strace $0x90000046  }
0xb4: {  	s29 =	simm.s32 $0x9;
	_ =	strace $0x80000048  }
0xb5: {  	_ =	swait.ge [sflag:s29], $0x1  }
0xb6: {  	[sflag:s29] =	ssyncadd.s32 $0xFFFFFFFF  }
0xb7: {  	_ =	strace $0x90000048  }
0xb8: {  	_ =	sfence  }
0xb9: {  	s30 =	sld [smem:$0x0];
	_ =	sdelay $0x2  }
0xba: {  	s31 =	sshll.u32 s1, $0xD;
	s1 =	sshrl.u32 s1, $0x2  }
0xbb: {  	s3 =	sand.u32 $0x4000, s31;
	s1 =	sadd.s32 s1, s30  }
0xbc: {  	s0 =	sor.u32 s3, s0;
	s1 =	sshll.u32 s1, $0x11  }
0xbd: {  	s0 =	sor.u32 s1, s0  }
0xbe: {  	s0 =	sadd.s32 $0x8F2B, s0  }
0xbf: {  	[sflag:s0] =	ssyncadd.remote.s32 $0x1  }
0xc0: {  	_ =	sfence.sel $0xFFFF  }
0xc1: {  	[dreg:$0x0] =	wrdreg $0xFFFFFFFF;
	(pc) =	sbr.abs _section_cstart, $3  }
0xc2: {  	[dreg:$0x1] =	wrdreg $0xFFFFFFFF  }
0xc3: {  	_ =	task.clear_ibuf [dreg:s8], $0x2FFFF;
	_ =	strace $0x9FFFFFFF  }
0xc4: {  	(tm) =	ssettm $0x7FFFFFFF  }
0xc5: {  	_ =	shalt  }
tec
execute0_lowered:
.L_overlay_start_1:
0x0: {  	(tag) =	ssettag $0x1  }
0x1: {  	s5 =	rddreg [dreg:$0x0]  }
0x2: {  	s2 =	rddreg [dreg:$0x1];
	s1 =	srdreg.scid  }
0x3: {  	s0 =	stileid.u32;
	s3 =	rddreg [dreg:$0x2];
	s17 =	simm.s32 $0x2  }
0x4: {  	s18 =	simm.s32 $0x80;
	s19 =	simm.s32 $0x14000;
	s20 =	simm.s32 $0x14280  }
0x5: {  	s21 =	simm.s32 $0x400;
	s22 =	simm.s32 $0x14500;
	s23 =	simm.s32 $0x0  }
0x6: {  	s6 =	sand.u32 $0x1, s1;
	s4 =	sshll.u32 s0, $0x1;
	s1 =	rddreg [dreg:$0x3]  }
0x7: {  	s8 =	sshrl.u32 s0, $0x2;
	s10 =	sadd.s32 $0x1800, s2;
	s11 =	sadd.s32 $0x2000, s2  }
0x8: {  	s12 =	sadd.s32 $0x2800, s2;
	s13 =	sadd.s32 $0x3000, s2;
	s14 =	sadd.s32 $0x3800, s2  }
0x9: {  	s15 =	sadd.s32 $0x4000, s2;
	s7 =	sor.u32 s6, s4;
	s4 =	simm.s32 $0x0  }
0xa: {  	s8 =	smul.u32 $0x1400, s8;
	s6 =	ssub.s32 $0x2, s6;
	s9 =	sshll.u32 s7, $0x7  }
0xb: {  	[smem:$0x7FF] =	sst s4;
	s7 =	smul.u32 $0x2800, s7;
	s9 =	sand.u32 $0x380, s9  }
0xc: {  	s31 =	sshrl.u32 s6, $0x1;
	_ =	strace $0x80000047;
	s8 =	sor.u32 s8, s9  }
0xd: {  	s16 =	ssub.s32 s6, s31;
	s7 =	sadd.s32 s7, s5;
	s8 =	sshrl.u32 s8, $0x3  }
0xe: {  	s9 =	sadd.s32 $0x1000, s2;
	s16 =	smax.u32 s16, $0x1;
	s5 =	sadd.s32 s5, s8  }
0xf: {  	s6 =	sadd.s32 $0xA00, s7;
	s8 =	sadd.s32 $0x800, s2;
	s7 =	sadd.s32 $0x50A00, s5  }
.LBB2_1:
0x10: {  	[tilespmem:s4], [sflag:$0x2] =	stream.linear.gather [hbm4b:s6+s4], $0x14000, $0x38;
	[tilespmem:$0x18D00] =	vst v63  }
0x11: {  	_ =	swait.ge [sflag:s17], $0x14000  }
0x12: {  	[sflag:s17] =	ssyncset.done $0x0  }
0x13: {  	[sflag:s17] =	ssyncadd.s32 $0xFFFEC000  }
0x14: {  	[tilespmem:s19], [sflag:$0x2] =	stream.strided.gather [hbm4b:s5+s18], $0x280, s21, s18, $0x38;
	[tilespmem:$0x18D00] =	vst v63  }
0x15: {  	_ =	swait.ge [sflag:s17], $0x280  }
0x16: {  	[sflag:s17] =	ssyncset.done $0x0  }
0x17: {  	[sflag:s17] =	ssyncadd.s32 $0xFFFFFD80  }
0x18: {  	[tilespmem:s20], [sflag:$0x2] =	stream.strided.gather [hbm4b:s7+s18], $0x280, s21, s18, $0x38;
	[tilespmem:$0x18D00] =	vst v63  }
0x19: {  	_ =	swait.ge [sflag:s17], $0x280  }
0x1a: {  	s26 =	simm.s32 $0xFFFFFFFF;
	[sflag:s17] =	ssyncset.done $0x0  }
0x1b: {  	s24 =	simm.s32 $0x400;
	s25 =	simm.s32 $0x0;
	[sflag:s17] =	ssyncadd.s32 $0xFFFFFD80  }
.LBB2_2:
0x1c: {  	s28 =	sshra.s32 s25, $0x2  }
0x1d: {  	v1 =	vld [tilespmem:s28+$0x14000];
	_ =	sdelay $0x4  }
0x1e: {  	(v2sf) =	vpush v1, $0x0;
	_ =	sdelay $0xe  }
0x1f: {  	s29 =	spop (v2sf)  }
0x20: {  	p0 =	seq.s32 s29, s26  }
0x21: {  	v0 =	vld.msk @!p0 [tilespmem:s24+$0xFFFFFC00], $0x1;
	_ =	sdelay $0x4  }
0x22: {  	v2 =	vshrl.u32 @!p0 v0, $0x3  }
0x23: {  	v2 =	vmul.u32 @!p0 $0x480, v2  }
0x24: {  	v0 =	vand.u32 @!p0 $0x7, v0  }
0x25: {  	v3 =	vlaneseq.u32 @!p0;
	v0 =	vor.u32 @!p0 v0, v2;
	v2 =	vimm.s32 @!p0 $0x0  }
0x26: {  	v3 =	vmul.u32 @!p0 $0x8, v3;
	v2 =	vperm.xlane @!p0 v0, v2;
	_ =	sdelay $0x1  }
0x27: {  	v63 =	vld [tilespmem:s28+$0x14280];
	v2 =	vadd.s32 @!p0 v3, v2;
	_ =	sdelay $0x3  }
0x28: {  	vm0 =	vmmov @!p0 $0xffff;
	s26 =	simm.s32 @!p0 $0x0;
	s28 =	simm.s32 @!p0 $0x14500  }
0x29: {  	(v2sf) =	vpush v63, $0x0;
	[tilespmem:s28], [sflag:$0x1] =	stream.indirect_vreg.gather @!p0 [hbm4b:s2+s26], $0x80, v2, vm0, $0xb8;
	[tilespmem:$0x18D00] =	vst v63  }
0x2a: {  	s28 =	simm.s32 @!p0 $0x14D00  }
0x2b: {  	[tilespmem:s28], [sflag:$0x1] =	stream.indirect_vreg.gather @!p0 [hbm4b:s8+s26], $0x80, v2, vm0, $0xb8;
	[tilespmem:$0x18D00] =	vst v63  }
0x2c: {  	s28 =	simm.s32 @!p0 $0x15500  }
0x2d: {  	[tilespmem:s28], [sflag:$0x1] =	stream.indirect_vreg.gather @!p0 [hbm4b:s9+s26], $0x80, v2, vm0, $0xb8;
	[tilespmem:$0x18D00] =	vst v63  }
0x2e: {  	s28 =	simm.s32 @!p0 $0x15D00  }
0x2f: {  	[tilespmem:s28], [sflag:$0x1] =	stream.indirect_vreg.gather @!p0 [hbm4b:s10+s26], $0x80, v2, vm0, $0xb8;
	[tilespmem:$0x18D00] =	vst v63  }
0x30: {  	s28 =	simm.s32 @!p0 $0x16500  }
0x31: {  	[tilespmem:s28], [sflag:$0x1] =	stream.indirect_vreg.gather @!p0 [hbm4b:s11+s26], $0x80, v2, vm0, $0xb8;
	[tilespmem:$0x18D00] =	vst v63  }
0x32: {  	s28 =	simm.s32 @!p0 $0x16D00  }
0x33: {  	[tilespmem:s28], [sflag:$0x1] =	stream.indirect_vreg.gather @!p0 [hbm4b:s12+s26], $0x80, v2, vm0, $0xb8;
	[tilespmem:$0x18D00] =	vst v63  }
0x34: {  	s28 =	simm.s32 @!p0 $0x17500  }
0x35: {  	[tilespmem:s28], [sflag:$0x1] =	stream.indirect_vreg.gather @!p0 [hbm4b:s13+s26], $0x80, v2, vm0, $0xb8;
	[tilespmem:$0x18D00] =	vst v63  }
0x36: {  	s28 =	simm.s32 @!p0 $0x17D00  }
0x37: {  	[tilespmem:s28], [sflag:$0x1] =	stream.indirect_vreg.gather @!p0 [hbm4b:s14+s26], $0x80, v2, vm0, $0xb8;
	[tilespmem:$0x18D00] =	vst v63  }
0x38: {  	s30 =	simm.s32 @!p0 $0x18500;
	s31 =	spop (v2sf)  }
0x39: {  	[tilespmem:s30], [sflag:$0x1] =	stream.indirect_vreg.gather @!p0 [hbm4b:s15+s26], $0x80, v2, vm0, $0xb8;
	[tilespmem:$0x18D00] =	vst v63  }
0x3a: {  	s30 =	sshrl.u32 s31, $0x3  }
0x3b: {  	s28 =	sshll.u32 s31, $0x7;
	s26 =	smul.u32 $0x24000, s30  }
0x3c: {  	s28 =	sand.u32 $0x380, s28;
	s30 =	simm.s32 @!p0 $0x1  }
0x3d: {  	_ =	swait.ge @!p0 [sflag:s30], $0x4800;
	s26 =	sor.u32 s28, s26  }
0x3e: {  	[sflag:s30] =	ssyncset.done @!p0 $0x0;
	s26 =	sshrl.u32 s26, $0x3  }
0x3f: {  	[sflag:s30] =	ssyncadd.s32 @!p0 $0xFFFFB800;
	s26 =	sadd.s32 s3, s26  }
0x40: {  	[hbm4b:s26+s18] =	stream.strided.scatter [tilespmem:s22], [sflag:$0x2], $0x4800, s21, s18, $0x38;
	[tilespmem:$0x18D00] =	vst v63  }
0x41: {  	_ =	swait.ge [sflag:s17], $0x4800  }
0x42: {  	(v2sf) =	vpush v1, $0x1;
	_ =	sdelay $0xe  }
0x43: {  	[sflag:s17] =	ssyncset.done $0x0;
	s26 =	spop (v2sf)  }
0x44: {  	[sflag:s17] =	ssyncadd.s32 $0xFFFFB800;
	p0 =	seq.s32 s26, s29  }
0x45: {  	v2 =	vld.msk @!p0 [tilespmem:s24+$0xFFFFFC80], $0x1;
	_ =	sdelay $0x4  }
0x46: {  	v3 =	vshrl.u32 @!p0 v2, $0x3  }
0x47: {  	v3 =	vmul.u32 @!p0 $0x480, v3  }
0x48: {  	v2 =	vand.u32 @!p0 $0x7, v2  }
0x49: {  	v4 =	vlaneseq.u32 @!p0;
	v2 =	vor.u32 @!p0 v2, v3;
	v3 =	vimm.s32 @!p0 $0x0  }
0x4a: {  	v2 =	vperm.xlane @!p0 v2, v3;
	v3 =	vmul.u32 @!p0 $0x8, v4;
	_ =	sdelay $0x1  }
0x4b: {  	v2 =	vadd.s32 @!p0 v3, v2;
	_ =	sdelay $0x3  }
0x4c: {  	vm0 =	vmmov @!p0 $0xffff;
	s28 =	simm.s32 @!p0 $0x0;
	s29 =	simm.s32 @!p0 $0x14500  }
0x4d: {  	(v2sf) =	vpush v63, $0x1;
	[tilespmem:s29], [sflag:$0x1] =	stream.indirect_vreg.gather @!p0 [hbm4b:s2+s28], $0x80, v2, vm0, $0xb8;
	[tilespmem:$0x18D00] =	vst v63  }
0x4e: {  	s29 =	simm.s32 @!p0 $0x14D00  }
0x4f: {  	[tilespmem:s29], [sflag:$0x1] =	stream.indirect_vreg.gather @!p0 [hbm4b:s8+s28], $0x80, v2, vm0, $0xb8;
	[tilespmem:$0x18D00] =	vst v63  }
0x50: {  	s29 =	simm.s32 @!p0 $0x15500  }
0x51: {  	[tilespmem:s29], [sflag:$0x1] =	stream.indirect_vreg.gather @!p0 [hbm4b:s9+s28], $0x80, v2, vm0, $0xb8;
	[tilespmem:$0x18D00] =	vst v63  }
0x52: {  	s29 =	simm.s32 @!p0 $0x15D00  }
0x53: {  	[tilespmem:s29], [sflag:$0x1] =	stream.indirect_vreg.gather @!p0 [hbm4b:s10+s28], $0x80, v2, vm0, $0xb8;
	[tilespmem:$0x18D00] =	vst v63  }
0x54: {  	s29 =	simm.s32 @!p0 $0x16500  }
0x55: {  	[tilespmem:s29], [sflag:$0x1] =	stream.indirect_vreg.gather @!p0 [hbm4b:s11+s28], $0x80, v2, vm0, $0xb8;
	[tilespmem:$0x18D00] =	vst v63  }
0x56: {  	s29 =	simm.s32 @!p0 $0x16D00  }
0x57: {  	[tilespmem:s29], [sflag:$0x1] =	stream.indirect_vreg.gather @!p0 [hbm4b:s12+s28], $0x80, v2, vm0, $0xb8;
	[tilespmem:$0x18D00] =	vst v63  }
0x58: {  	s29 =	simm.s32 @!p0 $0x17500  }
0x59: {  	[tilespmem:s29], [sflag:$0x1] =	stream.indirect_vreg.gather @!p0 [hbm4b:s13+s28], $0x80, v2, vm0, $0xb8;
	[tilespmem:$0x18D00] =	vst v63  }
0x5a: {  	s29 =	simm.s32 @!p0 $0x17D00  }
0x5b: {  	[tilespmem:s29], [sflag:$0x1] =	stream.indirect_vreg.gather @!p0 [hbm4b:s14+s28], $0x80, v2, vm0, $0xb8;
	[tilespmem:$0x18D00] =	vst v63  }
0x5c: {  	s30 =	simm.s32 @!p0 $0x18500;
	s31 =	spop (v2sf)  }
0x5d: {  	[tilespmem:s30], [sflag:$0x1] =	stream.indirect_vreg.gather @!p0 [hbm4b:s15+s28], $0x80, v2, vm0, $0xb8;
	[tilespmem:$0x18D00] =	vst v63  }
0x5e: {  	s30 =	sshrl.u32 s31, $0x3  }
0x5f: {  	s29 =	sshll.u32 s31, $0x7;
	s28 =	smul.u32 $0x24000, s30  }
0x60: {  	s29 =	sand.u32 $0x380, s29;
	s30 =	simm.s32 @!p0 $0x1  }
0x61: {  	_ =	swait.ge @!p0 [sflag:s30], $0x4800;
	s28 =	sor.u32 s29, s28  }
0x62: {  	[sflag:s30] =	ssyncset.done @!p0 $0x0;
	s28 =	sshrl.u32 s28, $0x3  }
0x63: {  	[sflag:s30] =	ssyncadd.s32 @!p0 $0xFFFFB800;
	s28 =	sadd.s32 s3, s28  }
0x64: {  	[hbm4b:s28+s18] =	stream.strided.scatter [tilespmem:s22], [sflag:$0x2], $0x4800, s21, s18, $0x38;
	[tilespmem:$0x18D00] =	vst v63  }
0x65: {  	_ =	swait.ge [sflag:s17], $0x4800  }
0x66: {  	(v2sf) =	vpush v1, $0x2;
	_ =	sdelay $0xe  }
0x67: {  	[sflag:s17] =	ssyncset.done $0x0;
	s28 =	spop (v2sf)  }
0x68: {  	[sflag:s17] =	ssyncadd.s32 $0xFFFFB800;
	p0 =	seq.s32 s28, s26  }
0x69: {  	v2 =	vld.msk @!p0 [tilespmem:s24+$0xFFFFFD00], $0x1;
	_ =	sdelay $0x4  }
0x6a: {  	v3 =	vshrl.u32 @!p0 v2, $0x3  }
0x6b: {  	v3 =	vmul.u32 @!p0 $0x480, v3  }
0x6c: {  	v2 =	vand.u32 @!p0 $0x7, v2  }
0x6d: {  	v4 =	vlaneseq.u32 @!p0;
	v2 =	vor.u32 @!p0 v2, v3;
	v3 =	vimm.s32 @!p0 $0x0  }
0x6e: {  	v2 =	vperm.xlane @!p0 v2, v3;
	v3 =	vmul.u32 @!p0 $0x8, v4;
	_ =	sdelay $0x1  }
0x6f: {  	v2 =	vadd.s32 @!p0 v3, v2;
	_ =	sdelay $0x3  }
0x70: {  	vm0 =	vmmov @!p0 $0xffff;
	s26 =	simm.s32 @!p0 $0x0;
	s29 =	simm.s32 @!p0 $0x14500  }
0x71: {  	(v2sf) =	vpush v63, $0x2;
	[tilespmem:s29], [sflag:$0x1] =	stream.indirect_vreg.gather @!p0 [hbm4b:s2+s26], $0x80, v2, vm0, $0xb8;
	[tilespmem:$0x18D00] =	vst v63  }
0x72: {  	s29 =	simm.s32 @!p0 $0x14D00  }
0x73: {  	[tilespmem:s29], [sflag:$0x1] =	stream.indirect_vreg.gather @!p0 [hbm4b:s8+s26], $0x80, v2, vm0, $0xb8;
	[tilespmem:$0x18D00] =	vst v63  }
0x74: {  	s29 =	simm.s32 @!p0 $0x15500  }
0x75: {  	[tilespmem:s29], [sflag:$0x1] =	stream.indirect_vreg.gather @!p0 [hbm4b:s9+s26], $0x80, v2, vm0, $0xb8;
	[tilespmem:$0x18D00] =	vst v63  }
0x76: {  	s29 =	simm.s32 @!p0 $0x15D00  }
0x77: {  	[tilespmem:s29], [sflag:$0x1] =	stream.indirect_vreg.gather @!p0 [hbm4b:s10+s26], $0x80, v2, vm0, $0xb8;
	[tilespmem:$0x18D00] =	vst v63  }
0x78: {  	s29 =	simm.s32 @!p0 $0x16500  }
0x79: {  	[tilespmem:s29], [sflag:$0x1] =	stream.indirect_vreg.gather @!p0 [hbm4b:s11+s26], $0x80, v2, vm0, $0xb8;
	[tilespmem:$0x18D00] =	vst v63  }
0x7a: {  	s29 =	simm.s32 @!p0 $0x16D00  }
0x7b: {  	[tilespmem:s29], [sflag:$0x1] =	stream.indirect_vreg.gather @!p0 [hbm4b:s12+s26], $0x80, v2, vm0, $0xb8;
	[tilespmem:$0x18D00] =	vst v63  }
0x7c: {  	s29 =	simm.s32 @!p0 $0x17500  }
0x7d: {  	[tilespmem:s29], [sflag:$0x1] =	stream.indirect_vreg.gather @!p0 [hbm4b:s13+s26], $0x80, v2, vm0, $0xb8;
	[tilespmem:$0x18D00] =	vst v63  }
0x7e: {  	s29 =	simm.s32 @!p0 $0x17D00  }
0x7f: {  	[tilespmem:s29], [sflag:$0x1] =	stream.indirect_vreg.gather @!p0 [hbm4b:s14+s26], $0x80, v2, vm0, $0xb8;
	[tilespmem:$0x18D00] =	vst v63  }
0x80: {  	s30 =	simm.s32 @!p0 $0x18500;
	s31 =	spop (v2sf)  }
0x81: {  	[tilespmem:s30], [sflag:$0x1] =	stream.indirect_vreg.gather @!p0 [hbm4b:s15+s26], $0x80, v2, vm0, $0xb8;
	[tilespmem:$0x18D00] =	vst v63  }
0x82: {  	s30 =	sshrl.u32 s31, $0x3  }
0x83: {  	s29 =	sshll.u32 s31, $0x7;
	s26 =	smul.u32 $0x24000, s30  }
0x84: {  	s29 =	sand.u32 $0x380, s29;
	s30 =	simm.s32 @!p0 $0x1  }
0x85: {  	_ =	swait.ge @!p0 [sflag:s30], $0x4800;
	s26 =	sor.u32 s29, s26  }
0x86: {  	[sflag:s30] =	ssyncset.done @!p0 $0x0;
	s26 =	sshrl.u32 s26, $0x3  }
0x87: {  	[sflag:s30] =	ssyncadd.s32 @!p0 $0xFFFFB800;
	s26 =	sadd.s32 s3, s26  }
0x88: {  	[hbm4b:s26+s18] =	stream.strided.scatter [tilespmem:s22], [sflag:$0x2], $0x4800, s21, s18, $0x38;
	[tilespmem:$0x18D00] =	vst v63  }
0x89: {  	_ =	swait.ge [sflag:s17], $0x4800  }
0x8a: {  	(v2sf) =	vpush v1, $0x3;
	_ =	sdelay $0xe  }
0x8b: {  	[sflag:s17] =	ssyncset.done $0x0;
	s26 =	spop (v2sf)  }
0x8c: {  	[sflag:s17] =	ssyncadd.s32 $0xFFFFB800;
	p0 =	seq.s32 s26, s28  }
0x8d: {  	v2 =	vld.msk @!p0 [tilespmem:s24+$0xFFFFFD80], $0x1;
	_ =	sdelay $0x4  }
0x8e: {  	v3 =	vshrl.u32 @!p0 v2, $0x3  }
0x8f: {  	v3 =	vmul.u32 @!p0 $0x480, v3  }
0x90: {  	v2 =	vand.u32 @!p0 $0x7, v2  }
0x91: {  	v4 =	vlaneseq.u32 @!p0;
	v2 =	vor.u32 @!p0 v2, v3;
	v3 =	vimm.s32 @!p0 $0x0  }
0x92: {  	v2 =	vperm.xlane @!p0 v2, v3;
	v3 =	vmul.u32 @!p0 $0x8, v4;
	_ =	sdelay $0x1  }
0x93: {  	v2 =	vadd.s32 @!p0 v3, v2;
	_ =	sdelay $0x3  }
0x94: {  	vm0 =	vmmov @!p0 $0xffff;
	s28 =	simm.s32 @!p0 $0x0;
	s29 =	simm.s32 @!p0 $0x14500  }
0x95: {  	(v2sf) =	vpush v63, $0x3;
	[tilespmem:s29], [sflag:$0x1] =	stream.indirect_vreg.gather @!p0 [hbm4b:s2+s28], $0x80, v2, vm0, $0xb8;
	[tilespmem:$0x18D00] =	vst v63  }
0x96: {  	s29 =	simm.s32 @!p0 $0x14D00  }
0x97: {  	[tilespmem:s29], [sflag:$0x1] =	stream.indirect_vreg.gather @!p0 [hbm4b:s8+s28], $0x80, v2, vm0, $0xb8;
	[tilespmem:$0x18D00] =	vst v63  }
0x98: {  	s29 =	simm.s32 @!p0 $0x15500  }
0x99: {  	[tilespmem:s29], [sflag:$0x1] =	stream.indirect_vreg.gather @!p0 [hbm4b:s9+s28], $0x80, v2, vm0, $0xb8;
	[tilespmem:$0x18D00] =	vst v63  }
0x9a: {  	s29 =	simm.s32 @!p0 $0x15D00  }
0x9b: {  	[tilespmem:s29], [sflag:$0x1] =	stream.indirect_vreg.gather @!p0 [hbm4b:s10+s28], $0x80, v2, vm0, $0xb8;
	[tilespmem:$0x18D00] =	vst v63  }
0x9c: {  	s29 =	simm.s32 @!p0 $0x16500  }
0x9d: {  	[tilespmem:s29], [sflag:$0x1] =	stream.indirect_vreg.gather @!p0 [hbm4b:s11+s28], $0x80, v2, vm0, $0xb8;
	[tilespmem:$0x18D00] =	vst v63  }
0x9e: {  	s29 =	simm.s32 @!p0 $0x16D00  }
0x9f: {  	[tilespmem:s29], [sflag:$0x1] =	stream.indirect_vreg.gather @!p0 [hbm4b:s12+s28], $0x80, v2, vm0, $0xb8;
	[tilespmem:$0x18D00] =	vst v63  }
0xa0: {  	s29 =	simm.s32 @!p0 $0x17500  }
0xa1: {  	[tilespmem:s29], [sflag:$0x1] =	stream.indirect_vreg.gather @!p0 [hbm4b:s13+s28], $0x80, v2, vm0, $0xb8;
	[tilespmem:$0x18D00] =	vst v63  }
0xa2: {  	s29 =	simm.s32 @!p0 $0x17D00  }
0xa3: {  	[tilespmem:s29], [sflag:$0x1] =	stream.indirect_vreg.gather @!p0 [hbm4b:s14+s28], $0x80, v2, vm0, $0xb8;
	[tilespmem:$0x18D00] =	vst v63  }
0xa4: {  	s30 =	simm.s32 @!p0 $0x18500;
	s31 =	spop (v2sf)  }
0xa5: {  	[tilespmem:s30], [sflag:$0x1] =	stream.indirect_vreg.gather @!p0 [hbm4b:s15+s28], $0x80, v2, vm0, $0xb8;
	[tilespmem:$0x18D00] =	vst v63  }
0xa6: {  	s30 =	sshrl.u32 s31, $0x3  }
0xa7: {  	s29 =	sshll.u32 s31, $0x7;
	s28 =	smul.u32 $0x24000, s30  }
0xa8: {  	s29 =	sand.u32 $0x380, s29;
	s30 =	simm.s32 @!p0 $0x1  }
0xa9: {  	_ =	swait.ge @!p0 [sflag:s30], $0x4800;
	s28 =	sor.u32 s29, s28  }
0xaa: {  	[sflag:s30] =	ssyncset.done @!p0 $0x0;
	s28 =	sshrl.u32 s28, $0x3  }
0xab: {  	[sflag:s30] =	ssyncadd.s32 @!p0 $0xFFFFB800;
	s28 =	sadd.s32 s3, s28  }
0xac: {  	[hbm4b:s28+s18] =	stream.strided.scatter [tilespmem:s22], [sflag:$0x2], $0x4800, s21, s18, $0x38;
	[tilespmem:$0x18D00] =	vst v63  }
0xad: {  	_ =	swait.ge [sflag:s17], $0x4800  }
0xae: {  	(v2sf) =	vpush v1, $0x4;
	_ =	sdelay $0xe  }
0xaf: {  	[sflag:s17] =	ssyncset.done $0x0;
	s28 =	spop (v2sf)  }
0xb0: {  	[sflag:s17] =	ssyncadd.s32 $0xFFFFB800;
	p0 =	seq.s32 s28, s26  }
0xb1: {  	v2 =	vld.msk @!p0 [tilespmem:s24+$0xFFFFFE00], $0x1;
	_ =	sdelay $0x4  }
0xb2: {  	v3 =	vshrl.u32 @!p0 v2, $0x3  }
0xb3: {  	v3 =	vmul.u32 @!p0 $0x480, v3  }
0xb4: {  	v2 =	vand.u32 @!p0 $0x7, v2  }
0xb5: {  	v4 =	vlaneseq.u32 @!p0;
	v2 =	vor.u32 @!p0 v2, v3;
	v3 =	vimm.s32 @!p0 $0x0  }
0xb6: {  	v2 =	vperm.xlane @!p0 v2, v3;
	v3 =	vmul.u32 @!p0 $0x8, v4;
	_ =	sdelay $0x1  }
0xb7: {  	v2 =	vadd.s32 @!p0 v3, v2;
	_ =	sdelay $0x3  }
0xb8: {  	vm0 =	vmmov @!p0 $0xffff;
	s26 =	simm.s32 @!p0 $0x0;
	s29 =	simm.s32 @!p0 $0x14500  }
0xb9: {  	(v2sf) =	vpush v63, $0x4;
	[tilespmem:s29], [sflag:$0x1] =	stream.indirect_vreg.gather @!p0 [hbm4b:s2+s26], $0x80, v2, vm0, $0xb8;
	[tilespmem:$0x18D00] =	vst v63  }
0xba: {  	s29 =	simm.s32 @!p0 $0x14D00  }
0xbb: {  	[tilespmem:s29], [sflag:$0x1] =	stream.indirect_vreg.gather @!p0 [hbm4b:s8+s26], $0x80, v2, vm0, $0xb8;
	[tilespmem:$0x18D00] =	vst v63  }
0xbc: {  	s29 =	simm.s32 @!p0 $0x15500  }
0xbd: {  	[tilespmem:s29], [sflag:$0x1] =	stream.indirect_vreg.gather @!p0 [hbm4b:s9+s26], $0x80, v2, vm0, $0xb8;
	[tilespmem:$0x18D00] =	vst v63  }
0xbe: {  	s29 =	simm.s32 @!p0 $0x15D00  }
0xbf: {  	[tilespmem:s29], [sflag:$0x1] =	stream.indirect_vreg.gather @!p0 [hbm4b:s10+s26], $0x80, v2, vm0, $0xb8;
	[tilespmem:$0x18D00] =	vst v63  }
0xc0: {  	s29 =	simm.s32 @!p0 $0x16500  }
0xc1: {  	[tilespmem:s29], [sflag:$0x1] =	stream.indirect_vreg.gather @!p0 [hbm4b:s11+s26], $0x80, v2, vm0, $0xb8;
	[tilespmem:$0x18D00] =	vst v63  }
0xc2: {  	s29 =	simm.s32 @!p0 $0x16D00  }
0xc3: {  	[tilespmem:s29], [sflag:$0x1] =	stream.indirect_vreg.gather @!p0 [hbm4b:s12+s26], $0x80, v2, vm0, $0xb8;
	[tilespmem:$0x18D00] =	vst v63  }
0xc4: {  	s29 =	simm.s32 @!p0 $0x17500  }
0xc5: {  	[tilespmem:s29], [sflag:$0x1] =	stream.indirect_vreg.gather @!p0 [hbm4b:s13+s26], $0x80, v2, vm0, $0xb8;
	[tilespmem:$0x18D00] =	vst v63  }
0xc6: {  	s29 =	simm.s32 @!p0 $0x17D00  }
0xc7: {  	[tilespmem:s29], [sflag:$0x1] =	stream.indirect_vreg.gather @!p0 [hbm4b:s14+s26], $0x80, v2, vm0, $0xb8;
	[tilespmem:$0x18D00] =	vst v63  }
0xc8: {  	s30 =	simm.s32 @!p0 $0x18500;
	s31 =	spop (v2sf)  }
0xc9: {  	[tilespmem:s30], [sflag:$0x1] =	stream.indirect_vreg.gather @!p0 [hbm4b:s15+s26], $0x80, v2, vm0, $0xb8;
	[tilespmem:$0x18D00] =	vst v63  }
0xca: {  	s30 =	sshrl.u32 s31, $0x3  }
0xcb: {  	s29 =	sshll.u32 s31, $0x7;
	s26 =	smul.u32 $0x24000, s30  }
0xcc: {  	s29 =	sand.u32 $0x380, s29;
	s30 =	simm.s32 @!p0 $0x1  }
0xcd: {  	_ =	swait.ge @!p0 [sflag:s30], $0x4800;
	s26 =	sor.u32 s29, s26  }
0xce: {  	[sflag:s30] =	ssyncset.done @!p0 $0x0;
	s26 =	sshrl.u32 s26, $0x3  }
0xcf: {  	[sflag:s30] =	ssyncadd.s32 @!p0 $0xFFFFB800;
	s26 =	sadd.s32 s3, s26  }
0xd0: {  	[hbm4b:s26+s18] =	stream.strided.scatter [tilespmem:s22], [sflag:$0x2], $0x4800, s21, s18, $0x38;
	[tilespmem:$0x18D00] =	vst v63  }
0xd1: {  	_ =	swait.ge [sflag:s17], $0x4800  }
0xd2: {  	(v2sf) =	vpush v1, $0x5;
	_ =	sdelay $0xe  }
0xd3: {  	[sflag:s17] =	ssyncset.done $0x0;
	s26 =	spop (v2sf)  }
0xd4: {  	[sflag:s17] =	ssyncadd.s32 $0xFFFFB800;
	p0 =	seq.s32 s26, s28  }
0xd5: {  	v2 =	vld.msk @!p0 [tilespmem:s24+$0xFFFFFE80], $0x1;
	_ =	sdelay $0x4  }
0xd6: {  	v3 =	vshrl.u32 @!p0 v2, $0x3  }
0xd7: {  	v3 =	vmul.u32 @!p0 $0x480, v3  }
0xd8: {  	v2 =	vand.u32 @!p0 $0x7, v2  }
0xd9: {  	v4 =	vlaneseq.u32 @!p0;
	v2 =	vor.u32 @!p0 v2, v3;
	v3 =	vimm.s32 @!p0 $0x0  }
0xda: {  	v2 =	vperm.xlane @!p0 v2, v3;
	v3 =	vmul.u32 @!p0 $0x8, v4;
	_ =	sdelay $0x1  }
0xdb: {  	v2 =	vadd.s32 @!p0 v3, v2;
	_ =	sdelay $0x3  }
0xdc: {  	vm0 =	vmmov @!p0 $0xffff;
	s28 =	simm.s32 @!p0 $0x0;
	s29 =	simm.s32 @!p0 $0x14500  }
0xdd: {  	(v2sf) =	vpush v63, $0x5;
	[tilespmem:s29], [sflag:$0x1] =	stream.indirect_vreg.gather @!p0 [hbm4b:s2+s28], $0x80, v2, vm0, $0xb8;
	[tilespmem:$0x18D00] =	vst v63  }
0xde: {  	s29 =	simm.s32 @!p0 $0x14D00  }
0xdf: {  	[tilespmem:s29], [sflag:$0x1] =	stream.indirect_vreg.gather @!p0 [hbm4b:s8+s28], $0x80, v2, vm0, $0xb8;
	[tilespmem:$0x18D00] =	vst v63  }
0xe0: {  	s29 =	simm.s32 @!p0 $0x15500  }
0xe1: {  	[tilespmem:s29], [sflag:$0x1] =	stream.indirect_vreg.gather @!p0 [hbm4b:s9+s28], $0x80, v2, vm0, $0xb8;
	[tilespmem:$0x18D00] =	vst v63  }
0xe2: {  	s29 =	simm.s32 @!p0 $0x15D00  }
0xe3: {  	[tilespmem:s29], [sflag:$0x1] =	stream.indirect_vreg.gather @!p0 [hbm4b:s10+s28], $0x80, v2, vm0, $0xb8;
	[tilespmem:$0x18D00] =	vst v63  }
0xe4: {  	s29 =	simm.s32 @!p0 $0x16500  }
0xe5: {  	[tilespmem:s29], [sflag:$0x1] =	stream.indirect_vreg.gather @!p0 [hbm4b:s11+s28], $0x80, v2, vm0, $0xb8;
	[tilespmem:$0x18D00] =	vst v63  }
0xe6: {  	s29 =	simm.s32 @!p0 $0x16D00  }
0xe7: {  	[tilespmem:s29], [sflag:$0x1] =	stream.indirect_vreg.gather @!p0 [hbm4b:s12+s28], $0x80, v2, vm0, $0xb8;
	[tilespmem:$0x18D00] =	vst v63  }
0xe8: {  	s29 =	simm.s32 @!p0 $0x17500  }
0xe9: {  	[tilespmem:s29], [sflag:$0x1] =	stream.indirect_vreg.gather @!p0 [hbm4b:s13+s28], $0x80, v2, vm0, $0xb8;
	[tilespmem:$0x18D00] =	vst v63  }
0xea: {  	s29 =	simm.s32 @!p0 $0x17D00  }
0xeb: {  	[tilespmem:s29], [sflag:$0x1] =	stream.indirect_vreg.gather @!p0 [hbm4b:s14+s28], $0x80, v2, vm0, $0xb8;
	[tilespmem:$0x18D00] =	vst v63  }
0xec: {  	s30 =	simm.s32 @!p0 $0x18500;
	s31 =	spop (v2sf)  }
0xed: {  	[tilespmem:s30], [sflag:$0x1] =	stream.indirect_vreg.gather @!p0 [hbm4b:s15+s28], $0x80, v2, vm0, $0xb8;
	[tilespmem:$0x18D00] =	vst v63  }
0xee: {  	s30 =	sshrl.u32 s31, $0x3  }
0xef: {  	s29 =	sshll.u32 s31, $0x7;
	s28 =	smul.u32 $0x24000, s30  }
0xf0: {  	s29 =	sand.u32 $0x380, s29;
	s30 =	simm.s32 @!p0 $0x1  }
0xf1: {  	_ =	swait.ge @!p0 [sflag:s30], $0x4800;
	s28 =	sor.u32 s29, s28  }
0xf2: {  	[sflag:s30] =	ssyncset.done @!p0 $0x0;
	s28 =	sshrl.u32 s28, $0x3  }
0xf3: {  	[sflag:s30] =	ssyncadd.s32 @!p0 $0xFFFFB800;
	s28 =	sadd.s32 s3, s28  }
0xf4: {  	[hbm4b:s28+s18] =	stream.strided.scatter [tilespmem:s22], [sflag:$0x2], $0x4800, s21, s18, $0x38;
	[tilespmem:$0x18D00] =	vst v63  }
0xf5: {  	_ =	swait.ge [sflag:s17], $0x4800  }
0xf6: {  	(v2sf) =	vpush v1, $0x6;
	_ =	sdelay $0xe  }
0xf7: {  	[sflag:s17] =	ssyncset.done $0x0;
	s28 =	spop (v2sf)  }
0xf8: {  	[sflag:s17] =	ssyncadd.s32 $0xFFFFB800;
	p0 =	seq.s32 s28, s26  }
0xf9: {  	v2 =	vld.msk @!p0 [tilespmem:s24+$0xFFFFFF00], $0x1;
	_ =	sdelay $0x4  }
0xfa: {  	v3 =	vshrl.u32 @!p0 v2, $0x3  }
0xfb: {  	v3 =	vmul.u32 @!p0 $0x480, v3  }
0xfc: {  	v2 =	vand.u32 @!p0 $0x7, v2  }
0xfd: {  	v4 =	vlaneseq.u32 @!p0;
	v2 =	vor.u32 @!p0 v2, v3;
	v3 =	vimm.s32 @!p0 $0x0  }
0xfe: {  	v2 =	vperm.xlane @!p0 v2, v3;
	v3 =	vmul.u32 @!p0 $0x8, v4;
	_ =	sdelay $0x1  }
0xff: {  	v2 =	vadd.s32 @!p0 v3, v2;
	_ =	sdelay $0x3  }
0x100: {  	vm0 =	vmmov @!p0 $0xffff;
	s26 =	simm.s32 @!p0 $0x0;
	s29 =	simm.s32 @!p0 $0x14500  }
0x101: {  	(v2sf) =	vpush v63, $0x6;
	[tilespmem:s29], [sflag:$0x1] =	stream.indirect_vreg.gather @!p0 [hbm4b:s2+s26], $0x80, v2, vm0, $0xb8;
	[tilespmem:$0x18D00] =	vst v63  }
0x102: {  	s29 =	simm.s32 @!p0 $0x14D00  }
0x103: {  	[tilespmem:s29], [sflag:$0x1] =	stream.indirect_vreg.gather @!p0 [hbm4b:s8+s26], $0x80, v2, vm0, $0xb8;
	[tilespmem:$0x18D00] =	vst v63  }
0x104: {  	s29 =	simm.s32 @!p0 $0x15500  }
0x105: {  	[tilespmem:s29], [sflag:$0x1] =	stream.indirect_vreg.gather @!p0 [hbm4b:s9+s26], $0x80, v2, vm0, $0xb8;
	[tilespmem:$0x18D00] =	vst v63  }
0x106: {  	s29 =	simm.s32 @!p0 $0x15D00  }
0x107: {  	[tilespmem:s29], [sflag:$0x1] =	stream.indirect_vreg.gather @!p0 [hbm4b:s10+s26], $0x80, v2, vm0, $0xb8;
	[tilespmem:$0x18D00] =	vst v63  }
0x108: {  	s29 =	simm.s32 @!p0 $0x16500  }
0x109: {  	[tilespmem:s29], [sflag:$0x1] =	stream.indirect_vreg.gather @!p0 [hbm4b:s11+s26], $0x80, v2, vm0, $0xb8;
	[tilespmem:$0x18D00] =	vst v63  }
0x10a: {  	s29 =	simm.s32 @!p0 $0x16D00  }
0x10b: {  	[tilespmem:s29], [sflag:$0x1] =	stream.indirect_vreg.gather @!p0 [hbm4b:s12+s26], $0x80, v2, vm0, $0xb8;
	[tilespmem:$0x18D00] =	vst v63  }
0x10c: {  	s29 =	simm.s32 @!p0 $0x17500  }
0x10d: {  	[tilespmem:s29], [sflag:$0x1] =	stream.indirect_vreg.gather @!p0 [hbm4b:s13+s26], $0x80, v2, vm0, $0xb8;
	[tilespmem:$0x18D00] =	vst v63  }
0x10e: {  	s29 =	simm.s32 @!p0 $0x17D00  }
0x10f: {  	[tilespmem:s29], [sflag:$0x1] =	stream.indirect_vreg.gather @!p0 [hbm4b:s14+s26], $0x80, v2, vm0, $0xb8;
	[tilespmem:$0x18D00] =	vst v63  }
0x110: {  	s30 =	simm.s32 @!p0 $0x18500;
	s31 =	spop (v2sf)  }
0x111: {  	[tilespmem:s30], [sflag:$0x1] =	stream.indirect_vreg.gather @!p0 [hbm4b:s15+s26], $0x80, v2, vm0, $0xb8;
	[tilespmem:$0x18D00] =	vst v63  }
0x112: {  	s30 =	sshrl.u32 s31, $0x3  }
0x113: {  	s29 =	sshll.u32 s31, $0x7;
	s26 =	smul.u32 $0x24000, s30  }
0x114: {  	s29 =	sand.u32 $0x380, s29;
	s30 =	simm.s32 @!p0 $0x1  }
0x115: {  	_ =	swait.ge @!p0 [sflag:s30], $0x4800;
	s26 =	sor.u32 s29, s26  }
0x116: {  	[sflag:s30] =	ssyncset.done @!p0 $0x0;
	s26 =	sshrl.u32 s26, $0x3  }
0x117: {  	[sflag:s30] =	ssyncadd.s32 @!p0 $0xFFFFB800;
	s26 =	sadd.s32 s3, s26  }
0x118: {  	[hbm4b:s26+s18] =	stream.strided.scatter [tilespmem:s22], [sflag:$0x2], $0x4800, s21, s18, $0x38;
	[tilespmem:$0x18D00] =	vst v63  }
0x119: {  	_ =	swait.ge [sflag:s17], $0x4800  }
0x11a: {  	(v2sf) =	vpush v1, $0x7;
	_ =	sdelay $0xe  }
0x11b: {  	[sflag:s17] =	ssyncset.done $0x0;
	s26 =	spop (v2sf)  }
0x11c: {  	[sflag:s17] =	ssyncadd.s32 $0xFFFFB800;
	p0 =	seq.s32 s26, s28  }
0x11d: {  	v2 =	vld.msk @!p0 [tilespmem:s24+$0xFFFFFF80], $0x1;
	_ =	sdelay $0x4  }
0x11e: {  	v3 =	vshrl.u32 @!p0 v2, $0x3  }
0x11f: {  	v3 =	vmul.u32 @!p0 $0x480, v3  }
0x120: {  	v2 =	vand.u32 @!p0 $0x7, v2  }
0x121: {  	v4 =	vlaneseq.u32 @!p0;
	v2 =	vor.u32 @!p0 v2, v3;
	v3 =	vimm.s32 @!p0 $0x0  }
0x122: {  	v2 =	vperm.xlane @!p0 v2, v3;
	v3 =	vmul.u32 @!p0 $0x8, v4;
	_ =	sdelay $0x1  }
0x123: {  	v2 =	vadd.s32 @!p0 v3, v2;
	_ =	sdelay $0x3  }
0x124: {  	vm0 =	vmmov @!p0 $0xffff;
	s28 =	simm.s32 @!p0 $0x0;
	s29 =	simm.s32 @!p0 $0x14500  }
0x125: {  	(v2sf) =	vpush v63, $0x7;
	[tilespmem:s29], [sflag:$0x1] =	stream.indirect_vreg.gather @!p0 [hbm4b:s2+s28], $0x80, v2, vm0, $0xb8;
	[tilespmem:$0x18D00] =	vst v63  }
0x126: {  	s29 =	simm.s32 @!p0 $0x14D00  }
0x127: {  	[tilespmem:s29], [sflag:$0x1] =	stream.indirect_vreg.gather @!p0 [hbm4b:s8+s28], $0x80, v2, vm0, $0xb8;
	[tilespmem:$0x18D00] =	vst v63  }
0x128: {  	s29 =	simm.s32 @!p0 $0x15500  }
0x129: {  	[tilespmem:s29], [sflag:$0x1] =	stream.indirect_vreg.gather @!p0 [hbm4b:s9+s28], $0x80, v2, vm0, $0xb8;
	[tilespmem:$0x18D00] =	vst v63  }
0x12a: {  	s29 =	simm.s32 @!p0 $0x15D00  }
0x12b: {  	[tilespmem:s29], [sflag:$0x1] =	stream.indirect_vreg.gather @!p0 [hbm4b:s10+s28], $0x80, v2, vm0, $0xb8;
	[tilespmem:$0x18D00] =	vst v63  }
0x12c: {  	s29 =	simm.s32 @!p0 $0x16500  }
0x12d: {  	[tilespmem:s29], [sflag:$0x1] =	stream.indirect_vreg.gather @!p0 [hbm4b:s11+s28], $0x80, v2, vm0, $0xb8;
	[tilespmem:$0x18D00] =	vst v63  }
0x12e: {  	s29 =	simm.s32 @!p0 $0x16D00  }
0x12f: {  	[tilespmem:s29], [sflag:$0x1] =	stream.indirect_vreg.gather @!p0 [hbm4b:s12+s28], $0x80, v2, vm0, $0xb8;
	[tilespmem:$0x18D00] =	vst v63  }
0x130: {  	s29 =	simm.s32 @!p0 $0x17500  }
0x131: {  	[tilespmem:s29], [sflag:$0x1] =	stream.indirect_vreg.gather @!p0 [hbm4b:s13+s28], $0x80, v2, vm0, $0xb8;
	[tilespmem:$0x18D00] =	vst v63  }
0x132: {  	s29 =	simm.s32 @!p0 $0x17D00  }
0x133: {  	[tilespmem:s29], [sflag:$0x1] =	stream.indirect_vreg.gather @!p0 [hbm4b:s14+s28], $0x80, v2, vm0, $0xb8;
	[tilespmem:$0x18D00] =	vst v63  }
0x134: {  	s30 =	simm.s32 @!p0 $0x18500;
	s31 =	spop (v2sf)  }
0x135: {  	[tilespmem:s30], [sflag:$0x1] =	stream.indirect_vreg.gather @!p0 [hbm4b:s15+s28], $0x80, v2, vm0, $0xb8;
	[tilespmem:$0x18D00] =	vst v63  }
0x136: {  	s30 =	sshrl.u32 s31, $0x3  }
0x137: {  	s29 =	sshll.u32 s31, $0x7;
	s28 =	smul.u32 $0x24000, s30  }
0x138: {  	s29 =	sand.u32 $0x380, s29;
	s30 =	simm.s32 @!p0 $0x1  }
0x139: {  	_ =	swait.ge @!p0 [sflag:s30], $0x4800;
	s28 =	sor.u32 s29, s28  }
0x13a: {  	[sflag:s30] =	ssyncset.done @!p0 $0x0;
	s28 =	sshrl.u32 s28, $0x3  }
0x13b: {  	[sflag:s30] =	ssyncadd.s32 @!p0 $0xFFFFB800;
	s28 =	sadd.s32 s3, s28  }
0x13c: {  	[hbm4b:s28+s18] =	stream.strided.scatter [tilespmem:s22], [sflag:$0x2], $0x4800, s21, s18, $0x38;
	[tilespmem:$0x18D00] =	vst v63  }
0x13d: {  	_ =	swait.ge [sflag:s17], $0x4800  }
0x13e: {  	(v2sf) =	vpush v1, $0x8;
	_ =	sdelay $0xe  }
0x13f: {  	[sflag:s17] =	ssyncset.done $0x0;
	s28 =	spop (v2sf)  }
0x140: {  	[sflag:s17] =	ssyncadd.s32 $0xFFFFB800;
	p0 =	seq.s32 s28, s26  }
0x141: {  	v2 =	vld.msk @!p0 [tilespmem:s24+$0x0], $0x1;
	_ =	sdelay $0x4  }
0x142: {  	v3 =	vshrl.u32 @!p0 v2, $0x3  }
0x143: {  	v3 =	vmul.u32 @!p0 $0x480, v3  }
0x144: {  	v2 =	vand.u32 @!p0 $0x7, v2  }
0x145: {  	v4 =	vlaneseq.u32 @!p0;
	v2 =	vor.u32 @!p0 v2, v3;
	v3 =	vimm.s32 @!p0 $0x0  }
0x146: {  	v2 =	vperm.xlane @!p0 v2, v3;
	v3 =	vmul.u32 @!p0 $0x8, v4;
	_ =	sdelay $0x1  }
0x147: {  	v2 =	vadd.s32 @!p0 v3, v2;
	_ =	sdelay $0x3  }
0x148: {  	vm0 =	vmmov @!p0 $0xffff;
	s26 =	simm.s32 @!p0 $0x0;
	s29 =	simm.s32 @!p0 $0x14500  }
0x149: {  	(v2sf) =	vpush v63, $0x8;
	[tilespmem:s29], [sflag:$0x1] =	stream.indirect_vreg.gather @!p0 [hbm4b:s2+s26], $0x80, v2, vm0, $0xb8;
	[tilespmem:$0x18D00] =	vst v63  }
0x14a: {  	s29 =	simm.s32 @!p0 $0x14D00  }
0x14b: {  	[tilespmem:s29], [sflag:$0x1] =	stream.indirect_vreg.gather @!p0 [hbm4b:s8+s26], $0x80, v2, vm0, $0xb8;
	[tilespmem:$0x18D00] =	vst v63  }
0x14c: {  	s29 =	simm.s32 @!p0 $0x15500  }
0x14d: {  	[tilespmem:s29], [sflag:$0x1] =	stream.indirect_vreg.gather @!p0 [hbm4b:s9+s26], $0x80, v2, vm0, $0xb8;
	[tilespmem:$0x18D00] =	vst v63  }
0x14e: {  	s29 =	simm.s32 @!p0 $0x15D00  }
0x14f: {  	[tilespmem:s29], [sflag:$0x1] =	stream.indirect_vreg.gather @!p0 [hbm4b:s10+s26], $0x80, v2, vm0, $0xb8;
	[tilespmem:$0x18D00] =	vst v63  }
0x150: {  	s29 =	simm.s32 @!p0 $0x16500  }
0x151: {  	[tilespmem:s29], [sflag:$0x1] =	stream.indirect_vreg.gather @!p0 [hbm4b:s11+s26], $0x80, v2, vm0, $0xb8;
	[tilespmem:$0x18D00] =	vst v63  }
0x152: {  	s29 =	simm.s32 @!p0 $0x16D00  }
0x153: {  	[tilespmem:s29], [sflag:$0x1] =	stream.indirect_vreg.gather @!p0 [hbm4b:s12+s26], $0x80, v2, vm0, $0xb8;
	[tilespmem:$0x18D00] =	vst v63  }
0x154: {  	s29 =	simm.s32 @!p0 $0x17500  }
0x155: {  	[tilespmem:s29], [sflag:$0x1] =	stream.indirect_vreg.gather @!p0 [hbm4b:s13+s26], $0x80, v2, vm0, $0xb8;
	[tilespmem:$0x18D00] =	vst v63  }
0x156: {  	s29 =	simm.s32 @!p0 $0x17D00  }
0x157: {  	[tilespmem:s29], [sflag:$0x1] =	stream.indirect_vreg.gather @!p0 [hbm4b:s14+s26], $0x80, v2, vm0, $0xb8;
	[tilespmem:$0x18D00] =	vst v63  }
0x158: {  	s30 =	simm.s32 @!p0 $0x18500;
	s31 =	spop (v2sf)  }
0x159: {  	[tilespmem:s30], [sflag:$0x1] =	stream.indirect_vreg.gather @!p0 [hbm4b:s15+s26], $0x80, v2, vm0, $0xb8;
	[tilespmem:$0x18D00] =	vst v63  }
0x15a: {  	s30 =	sshrl.u32 s31, $0x3  }
0x15b: {  	s29 =	sshll.u32 s31, $0x7;
	s26 =	smul.u32 $0x24000, s30  }
0x15c: {  	s29 =	sand.u32 $0x380, s29;
	s30 =	simm.s32 @!p0 $0x1  }
0x15d: {  	_ =	swait.ge @!p0 [sflag:s30], $0x4800;
	s26 =	sor.u32 s29, s26  }
0x15e: {  	[sflag:s30] =	ssyncset.done @!p0 $0x0;
	s26 =	sshrl.u32 s26, $0x3  }
0x15f: {  	[sflag:s30] =	ssyncadd.s32 @!p0 $0xFFFFB800;
	s26 =	sadd.s32 s3, s26  }
0x160: {  	[hbm4b:s26+s18] =	stream.strided.scatter [tilespmem:s22], [sflag:$0x2], $0x4800, s21, s18, $0x38;
	[tilespmem:$0x18D00] =	vst v63  }
0x161: {  	_ =	swait.ge [sflag:s17], $0x4800  }
0x162: {  	(v2sf) =	vpush v1, $0x9;
	_ =	sdelay $0xe  }
0x163: {  	[sflag:s17] =	ssyncset.done $0x0;
	s26 =	spop (v2sf)  }
0x164: {  	[sflag:s17] =	ssyncadd.s32 $0xFFFFB800;
	p0 =	seq.s32 s26, s28  }
0x165: {  	v2 =	vld.msk @!p0 [tilespmem:s24+$0x80], $0x1;
	_ =	sdelay $0x4  }
0x166: {  	v3 =	vshrl.u32 @!p0 v2, $0x3  }
0x167: {  	v3 =	vmul.u32 @!p0 $0x480, v3  }
0x168: {  	v2 =	vand.u32 @!p0 $0x7, v2  }
0x169: {  	v4 =	vlaneseq.u32 @!p0;
	v2 =	vor.u32 @!p0 v2, v3;
	v3 =	vimm.s32 @!p0 $0x0  }
0x16a: {  	v2 =	vperm.xlane @!p0 v2, v3;
	v3 =	vmul.u32 @!p0 $0x8, v4;
	_ =	sdelay $0x1  }
0x16b: {  	v2 =	vadd.s32 @!p0 v3, v2;
	_ =	sdelay $0x3  }
0x16c: {  	vm0 =	vmmov @!p0 $0xffff;
	s28 =	simm.s32 @!p0 $0x0;
	s29 =	simm.s32 @!p0 $0x14500  }
0x16d: {  	(v2sf) =	vpush v63, $0x9;
	[tilespmem:s29], [sflag:$0x1] =	stream.indirect_vreg.gather @!p0 [hbm4b:s2+s28], $0x80, v2, vm0, $0xb8;
	[tilespmem:$0x18D00] =	vst v63  }
0x16e: {  	s29 =	simm.s32 @!p0 $0x14D00  }
0x16f: {  	[tilespmem:s29], [sflag:$0x1] =	stream.indirect_vreg.gather @!p0 [hbm4b:s8+s28], $0x80, v2, vm0, $0xb8;
	[tilespmem:$0x18D00] =	vst v63  }
0x170: {  	s29 =	simm.s32 @!p0 $0x15500  }
0x171: {  	[tilespmem:s29], [sflag:$0x1] =	stream.indirect_vreg.gather @!p0 [hbm4b:s9+s28], $0x80, v2, vm0, $0xb8;
	[tilespmem:$0x18D00] =	vst v63  }
0x172: {  	s29 =	simm.s32 @!p0 $0x15D00  }
0x173: {  	[tilespmem:s29], [sflag:$0x1] =	stream.indirect_vreg.gather @!p0 [hbm4b:s10+s28], $0x80, v2, vm0, $0xb8;
	[tilespmem:$0x18D00] =	vst v63  }
0x174: {  	s29 =	simm.s32 @!p0 $0x16500  }
0x175: {  	[tilespmem:s29], [sflag:$0x1] =	stream.indirect_vreg.gather @!p0 [hbm4b:s11+s28], $0x80, v2, vm0, $0xb8;
	[tilespmem:$0x18D00] =	vst v63  }
0x176: {  	s29 =	simm.s32 @!p0 $0x16D00  }
0x177: {  	[tilespmem:s29], [sflag:$0x1] =	stream.indirect_vreg.gather @!p0 [hbm4b:s12+s28], $0x80, v2, vm0, $0xb8;
	[tilespmem:$0x18D00] =	vst v63  }
0x178: {  	s29 =	simm.s32 @!p0 $0x17500  }
0x179: {  	[tilespmem:s29], [sflag:$0x1] =	stream.indirect_vreg.gather @!p0 [hbm4b:s13+s28], $0x80, v2, vm0, $0xb8;
	[tilespmem:$0x18D00] =	vst v63  }
0x17a: {  	s29 =	simm.s32 @!p0 $0x17D00  }
0x17b: {  	[tilespmem:s29], [sflag:$0x1] =	stream.indirect_vreg.gather @!p0 [hbm4b:s14+s28], $0x80, v2, vm0, $0xb8;
	[tilespmem:$0x18D00] =	vst v63  }
0x17c: {  	s30 =	simm.s32 @!p0 $0x18500;
	s31 =	spop (v2sf)  }
0x17d: {  	[tilespmem:s30], [sflag:$0x1] =	stream.indirect_vreg.gather @!p0 [hbm4b:s15+s28], $0x80, v2, vm0, $0xb8;
	[tilespmem:$0x18D00] =	vst v63  }
0x17e: {  	s30 =	sshrl.u32 s31, $0x3  }
0x17f: {  	s29 =	sshll.u32 s31, $0x7;
	s28 =	smul.u32 $0x24000, s30  }
0x180: {  	s29 =	sand.u32 $0x380, s29;
	s30 =	simm.s32 @!p0 $0x1  }
0x181: {  	_ =	swait.ge @!p0 [sflag:s30], $0x4800;
	s28 =	sor.u32 s29, s28  }
0x182: {  	[sflag:s30] =	ssyncset.done @!p0 $0x0;
	s28 =	sshrl.u32 s28, $0x3  }
0x183: {  	[sflag:s30] =	ssyncadd.s32 @!p0 $0xFFFFB800;
	s28 =	sadd.s32 s3, s28  }
0x184: {  	[hbm4b:s28+s18] =	stream.strided.scatter [tilespmem:s22], [sflag:$0x2], $0x4800, s21, s18, $0x38;
	[tilespmem:$0x18D00] =	vst v63  }
0x185: {  	_ =	swait.ge [sflag:s17], $0x4800  }
0x186: {  	(v2sf) =	vpush v1, $0xA;
	_ =	sdelay $0xe  }
0x187: {  	[sflag:s17] =	ssyncset.done $0x0;
	s28 =	spop (v2sf)  }
0x188: {  	[sflag:s17] =	ssyncadd.s32 $0xFFFFB800;
	p0 =	seq.s32 s28, s26  }
0x189: {  	v2 =	vld.msk @!p0 [tilespmem:s24+$0x100], $0x1;
	_ =	sdelay $0x4  }
0x18a: {  	v3 =	vshrl.u32 @!p0 v2, $0x3  }
0x18b: {  	v3 =	vmul.u32 @!p0 $0x480, v3  }
0x18c: {  	v2 =	vand.u32 @!p0 $0x7, v2  }
0x18d: {  	v4 =	vlaneseq.u32 @!p0;
	v2 =	vor.u32 @!p0 v2, v3;
	v3 =	vimm.s32 @!p0 $0x0  }
0x18e: {  	v2 =	vperm.xlane @!p0 v2, v3;
	v3 =	vmul.u32 @!p0 $0x8, v4;
	_ =	sdelay $0x1  }
0x18f: {  	v2 =	vadd.s32 @!p0 v3, v2;
	_ =	sdelay $0x3  }
0x190: {  	vm0 =	vmmov @!p0 $0xffff;
	s26 =	simm.s32 @!p0 $0x0;
	s29 =	simm.s32 @!p0 $0x14500  }
0x191: {  	(v2sf) =	vpush v63, $0xA;
	[tilespmem:s29], [sflag:$0x1] =	stream.indirect_vreg.gather @!p0 [hbm4b:s2+s26], $0x80, v2, vm0, $0xb8;
	[tilespmem:$0x18D00] =	vst v63  }
0x192: {  	s29 =	simm.s32 @!p0 $0x14D00  }
0x193: {  	[tilespmem:s29], [sflag:$0x1] =	stream.indirect_vreg.gather @!p0 [hbm4b:s8+s26], $0x80, v2, vm0, $0xb8;
	[tilespmem:$0x18D00] =	vst v63  }
0x194: {  	s29 =	simm.s32 @!p0 $0x15500  }
0x195: {  	[tilespmem:s29], [sflag:$0x1] =	stream.indirect_vreg.gather @!p0 [hbm4b:s9+s26], $0x80, v2, vm0, $0xb8;
	[tilespmem:$0x18D00] =	vst v63  }
0x196: {  	s29 =	simm.s32 @!p0 $0x15D00  }
0x197: {  	[tilespmem:s29], [sflag:$0x1] =	stream.indirect_vreg.gather @!p0 [hbm4b:s10+s26], $0x80, v2, vm0, $0xb8;
	[tilespmem:$0x18D00] =	vst v63  }
0x198: {  	s29 =	simm.s32 @!p0 $0x16500  }
0x199: {  	[tilespmem:s29], [sflag:$0x1] =	stream.indirect_vreg.gather @!p0 [hbm4b:s11+s26], $0x80, v2, vm0, $0xb8;
	[tilespmem:$0x18D00] =	vst v63  }
0x19a: {  	s29 =	simm.s32 @!p0 $0x16D00  }
0x19b: {  	[tilespmem:s29], [sflag:$0x1] =	stream.indirect_vreg.gather @!p0 [hbm4b:s12+s26], $0x80, v2, vm0, $0xb8;
	[tilespmem:$0x18D00] =	vst v63  }
0x19c: {  	s29 =	simm.s32 @!p0 $0x17500  }
0x19d: {  	[tilespmem:s29], [sflag:$0x1] =	stream.indirect_vreg.gather @!p0 [hbm4b:s13+s26], $0x80, v2, vm0, $0xb8;
	[tilespmem:$0x18D00] =	vst v63  }
0x19e: {  	s29 =	simm.s32 @!p0 $0x17D00  }
0x19f: {  	[tilespmem:s29], [sflag:$0x1] =	stream.indirect_vreg.gather @!p0 [hbm4b:s14+s26], $0x80, v2, vm0, $0xb8;
	[tilespmem:$0x18D00] =	vst v63  }
0x1a0: {  	s30 =	simm.s32 @!p0 $0x18500;
	s31 =	spop (v2sf)  }
0x1a1: {  	[tilespmem:s30], [sflag:$0x1] =	stream.indirect_vreg.gather @!p0 [hbm4b:s15+s26], $0x80, v2, vm0, $0xb8;
	[tilespmem:$0x18D00] =	vst v63  }
0x1a2: {  	s30 =	sshrl.u32 s31, $0x3  }
0x1a3: {  	s29 =	sshll.u32 s31, $0x7;
	s26 =	smul.u32 $0x24000, s30  }
0x1a4: {  	s29 =	sand.u32 $0x380, s29;
	s30 =	simm.s32 @!p0 $0x1  }
0x1a5: {  	_ =	swait.ge @!p0 [sflag:s30], $0x4800;
	s26 =	sor.u32 s29, s26  }
0x1a6: {  	[sflag:s30] =	ssyncset.done @!p0 $0x0;
	s26 =	sshrl.u32 s26, $0x3  }
0x1a7: {  	[sflag:s30] =	ssyncadd.s32 @!p0 $0xFFFFB800;
	s26 =	sadd.s32 s3, s26  }
0x1a8: {  	[hbm4b:s26+s18] =	stream.strided.scatter [tilespmem:s22], [sflag:$0x2], $0x4800, s21, s18, $0x38;
	[tilespmem:$0x18D00] =	vst v63  }
0x1a9: {  	_ =	swait.ge [sflag:s17], $0x4800  }
0x1aa: {  	(v2sf) =	vpush v1, $0xB;
	_ =	sdelay $0xe  }
0x1ab: {  	[sflag:s17] =	ssyncset.done $0x0;
	s26 =	spop (v2sf)  }
0x1ac: {  	[sflag:s17] =	ssyncadd.s32 $0xFFFFB800;
	p0 =	seq.s32 s26, s28  }
0x1ad: {  	v2 =	vld.msk @!p0 [tilespmem:s24+$0x180], $0x1;
	_ =	sdelay $0x4  }
0x1ae: {  	v3 =	vshrl.u32 @!p0 v2, $0x3  }
0x1af: {  	v3 =	vmul.u32 @!p0 $0x480, v3  }
0x1b0: {  	v2 =	vand.u32 @!p0 $0x7, v2  }
0x1b1: {  	v4 =	vlaneseq.u32 @!p0;
	v2 =	vor.u32 @!p0 v2, v3;
	v3 =	vimm.s32 @!p0 $0x0  }
0x1b2: {  	v2 =	vperm.xlane @!p0 v2, v3;
	v3 =	vmul.u32 @!p0 $0x8, v4;
	_ =	sdelay $0x1  }
0x1b3: {  	v2 =	vadd.s32 @!p0 v3, v2;
	_ =	sdelay $0x3  }
0x1b4: {  	vm0 =	vmmov @!p0 $0xffff;
	s28 =	simm.s32 @!p0 $0x0;
	s29 =	simm.s32 @!p0 $0x14500  }
0x1b5: {  	(v2sf) =	vpush v63, $0xB;
	[tilespmem:s29], [sflag:$0x1] =	stream.indirect_vreg.gather @!p0 [hbm4b:s2+s28], $0x80, v2, vm0, $0xb8;
	[tilespmem:$0x18D00] =	vst v63  }
0x1b6: {  	s29 =	simm.s32 @!p0 $0x14D00  }
0x1b7: {  	[tilespmem:s29], [sflag:$0x1] =	stream.indirect_vreg.gather @!p0 [hbm4b:s8+s28], $0x80, v2, vm0, $0xb8;
	[tilespmem:$0x18D00] =	vst v63  }
0x1b8: {  	s29 =	simm.s32 @!p0 $0x15500  }
0x1b9: {  	[tilespmem:s29], [sflag:$0x1] =	stream.indirect_vreg.gather @!p0 [hbm4b:s9+s28], $0x80, v2, vm0, $0xb8;
	[tilespmem:$0x18D00] =	vst v63  }
0x1ba: {  	s29 =	simm.s32 @!p0 $0x15D00  }
0x1bb: {  	[tilespmem:s29], [sflag:$0x1] =	stream.indirect_vreg.gather @!p0 [hbm4b:s10+s28], $0x80, v2, vm0, $0xb8;
	[tilespmem:$0x18D00] =	vst v63  }
0x1bc: {  	s29 =	simm.s32 @!p0 $0x16500  }
0x1bd: {  	[tilespmem:s29], [sflag:$0x1] =	stream.indirect_vreg.gather @!p0 [hbm4b:s11+s28], $0x80, v2, vm0, $0xb8;
	[tilespmem:$0x18D00] =	vst v63  }
0x1be: {  	s29 =	simm.s32 @!p0 $0x16D00  }
0x1bf: {  	[tilespmem:s29], [sflag:$0x1] =	stream.indirect_vreg.gather @!p0 [hbm4b:s12+s28], $0x80, v2, vm0, $0xb8;
	[tilespmem:$0x18D00] =	vst v63  }
0x1c0: {  	s29 =	simm.s32 @!p0 $0x17500  }
0x1c1: {  	[tilespmem:s29], [sflag:$0x1] =	stream.indirect_vreg.gather @!p0 [hbm4b:s13+s28], $0x80, v2, vm0, $0xb8;
	[tilespmem:$0x18D00] =	vst v63  }
0x1c2: {  	s29 =	simm.s32 @!p0 $0x17D00  }
0x1c3: {  	[tilespmem:s29], [sflag:$0x1] =	stream.indirect_vreg.gather @!p0 [hbm4b:s14+s28], $0x80, v2, vm0, $0xb8;
	[tilespmem:$0x18D00] =	vst v63  }
0x1c4: {  	s30 =	simm.s32 @!p0 $0x18500;
	s31 =	spop (v2sf)  }
0x1c5: {  	[tilespmem:s30], [sflag:$0x1] =	stream.indirect_vreg.gather @!p0 [hbm4b:s15+s28], $0x80, v2, vm0, $0xb8;
	[tilespmem:$0x18D00] =	vst v63  }
0x1c6: {  	s30 =	sshrl.u32 s31, $0x3  }
0x1c7: {  	s29 =	sshll.u32 s31, $0x7;
	s28 =	smul.u32 $0x24000, s30  }
0x1c8: {  	s29 =	sand.u32 $0x380, s29;
	s30 =	simm.s32 @!p0 $0x1  }
0x1c9: {  	_ =	swait.ge @!p0 [sflag:s30], $0x4800;
	s28 =	sor.u32 s29, s28  }
0x1ca: {  	[sflag:s30] =	ssyncset.done @!p0 $0x0;
	s28 =	sshrl.u32 s28, $0x3  }
0x1cb: {  	[sflag:s30] =	ssyncadd.s32 @!p0 $0xFFFFB800;
	s28 =	sadd.s32 s3, s28  }
0x1cc: {  	[hbm4b:s28+s18] =	stream.strided.scatter [tilespmem:s22], [sflag:$0x2], $0x4800, s21, s18, $0x38;
	[tilespmem:$0x18D00] =	vst v63  }
0x1cd: {  	_ =	swait.ge [sflag:s17], $0x4800  }
0x1ce: {  	(v2sf) =	vpush v1, $0xC;
	_ =	sdelay $0xe  }
0x1cf: {  	[sflag:s17] =	ssyncset.done $0x0;
	s28 =	spop (v2sf)  }
0x1d0: {  	[sflag:s17] =	ssyncadd.s32 $0xFFFFB800;
	p0 =	seq.s32 s28, s26  }
0x1d1: {  	v2 =	vld.msk @!p0 [tilespmem:s24+$0x200], $0x1;
	_ =	sdelay $0x4  }
0x1d2: {  	v3 =	vshrl.u32 @!p0 v2, $0x3  }
0x1d3: {  	v3 =	vmul.u32 @!p0 $0x480, v3  }
0x1d4: {  	v2 =	vand.u32 @!p0 $0x7, v2  }
0x1d5: {  	v4 =	vlaneseq.u32 @!p0;
	v2 =	vor.u32 @!p0 v2, v3;
	v3 =	vimm.s32 @!p0 $0x0  }
0x1d6: {  	v2 =	vperm.xlane @!p0 v2, v3;
	v3 =	vmul.u32 @!p0 $0x8, v4;
	_ =	sdelay $0x1  }
0x1d7: {  	v2 =	vadd.s32 @!p0 v3, v2;
	_ =	sdelay $0x3  }
0x1d8: {  	vm0 =	vmmov @!p0 $0xffff;
	s26 =	simm.s32 @!p0 $0x0;
	s29 =	simm.s32 @!p0 $0x14500  }
0x1d9: {  	(v2sf) =	vpush v63, $0xC;
	[tilespmem:s29], [sflag:$0x1] =	stream.indirect_vreg.gather @!p0 [hbm4b:s2+s26], $0x80, v2, vm0, $0xb8;
	[tilespmem:$0x18D00] =	vst v63  }
0x1da: {  	s29 =	simm.s32 @!p0 $0x14D00  }
0x1db: {  	[tilespmem:s29], [sflag:$0x1] =	stream.indirect_vreg.gather @!p0 [hbm4b:s8+s26], $0x80, v2, vm0, $0xb8;
	[tilespmem:$0x18D00] =	vst v63  }
0x1dc: {  	s29 =	simm.s32 @!p0 $0x15500  }
0x1dd: {  	[tilespmem:s29], [sflag:$0x1] =	stream.indirect_vreg.gather @!p0 [hbm4b:s9+s26], $0x80, v2, vm0, $0xb8;
	[tilespmem:$0x18D00] =	vst v63  }
0x1de: {  	s29 =	simm.s32 @!p0 $0x15D00  }
0x1df: {  	[tilespmem:s29], [sflag:$0x1] =	stream.indirect_vreg.gather @!p0 [hbm4b:s10+s26], $0x80, v2, vm0, $0xb8;
	[tilespmem:$0x18D00] =	vst v63  }
0x1e0: {  	s29 =	simm.s32 @!p0 $0x16500  }
0x1e1: {  	[tilespmem:s29], [sflag:$0x1] =	stream.indirect_vreg.gather @!p0 [hbm4b:s11+s26], $0x80, v2, vm0, $0xb8;
	[tilespmem:$0x18D00] =	vst v63  }
0x1e2: {  	s29 =	simm.s32 @!p0 $0x16D00  }
0x1e3: {  	[tilespmem:s29], [sflag:$0x1] =	stream.indirect_vreg.gather @!p0 [hbm4b:s12+s26], $0x80, v2, vm0, $0xb8;
	[tilespmem:$0x18D00] =	vst v63  }
0x1e4: {  	s29 =	simm.s32 @!p0 $0x17500  }
0x1e5: {  	[tilespmem:s29], [sflag:$0x1] =	stream.indirect_vreg.gather @!p0 [hbm4b:s13+s26], $0x80, v2, vm0, $0xb8;
	[tilespmem:$0x18D00] =	vst v63  }
0x1e6: {  	s29 =	simm.s32 @!p0 $0x17D00  }
0x1e7: {  	[tilespmem:s29], [sflag:$0x1] =	stream.indirect_vreg.gather @!p0 [hbm4b:s14+s26], $0x80, v2, vm0, $0xb8;
	[tilespmem:$0x18D00] =	vst v63  }
0x1e8: {  	s30 =	simm.s32 @!p0 $0x18500;
	s31 =	spop (v2sf)  }
0x1e9: {  	[tilespmem:s30], [sflag:$0x1] =	stream.indirect_vreg.gather @!p0 [hbm4b:s15+s26], $0x80, v2, vm0, $0xb8;
	[tilespmem:$0x18D00] =	vst v63  }
0x1ea: {  	s30 =	sshrl.u32 s31, $0x3  }
0x1eb: {  	s29 =	sshll.u32 s31, $0x7;
	s26 =	smul.u32 $0x24000, s30  }
0x1ec: {  	s29 =	sand.u32 $0x380, s29;
	s30 =	simm.s32 @!p0 $0x1  }
0x1ed: {  	_ =	swait.ge @!p0 [sflag:s30], $0x4800;
	s26 =	sor.u32 s29, s26  }
0x1ee: {  	[sflag:s30] =	ssyncset.done @!p0 $0x0;
	s26 =	sshrl.u32 s26, $0x3  }
0x1ef: {  	[sflag:s30] =	ssyncadd.s32 @!p0 $0xFFFFB800;
	s26 =	sadd.s32 s3, s26  }
0x1f0: {  	[hbm4b:s26+s18] =	stream.strided.scatter [tilespmem:s22], [sflag:$0x2], $0x4800, s21, s18, $0x38;
	[tilespmem:$0x18D00] =	vst v63  }
0x1f1: {  	_ =	swait.ge [sflag:s17], $0x4800  }
0x1f2: {  	(v2sf) =	vpush v1, $0xD;
	_ =	sdelay $0xe  }
0x1f3: {  	[sflag:s17] =	ssyncset.done $0x0;
	s26 =	spop (v2sf)  }
0x1f4: {  	[sflag:s17] =	ssyncadd.s32 $0xFFFFB800;
	p0 =	seq.s32 s26, s28  }
0x1f5: {  	v2 =	vld.msk @!p0 [tilespmem:s24+$0x280], $0x1;
	_ =	sdelay $0x4  }
0x1f6: {  	v3 =	vshrl.u32 @!p0 v2, $0x3  }
0x1f7: {  	v3 =	vmul.u32 @!p0 $0x480, v3  }
0x1f8: {  	v2 =	vand.u32 @!p0 $0x7, v2  }
0x1f9: {  	v4 =	vlaneseq.u32 @!p0;
	v2 =	vor.u32 @!p0 v2, v3;
	v3 =	vimm.s32 @!p0 $0x0  }
0x1fa: {  	v2 =	vperm.xlane @!p0 v2, v3;
	v3 =	vmul.u32 @!p0 $0x8, v4;
	_ =	sdelay $0x1  }
0x1fb: {  	v2 =	vadd.s32 @!p0 v3, v2;
	_ =	sdelay $0x3  }
0x1fc: {  	vm0 =	vmmov @!p0 $0xffff;
	s28 =	simm.s32 @!p0 $0x0;
	s29 =	simm.s32 @!p0 $0x14500  }
0x1fd: {  	(v2sf) =	vpush v63, $0xD;
	[tilespmem:s29], [sflag:$0x1] =	stream.indirect_vreg.gather @!p0 [hbm4b:s2+s28], $0x80, v2, vm0, $0xb8;
	[tilespmem:$0x18D00] =	vst v63  }
0x1fe: {  	s29 =	simm.s32 @!p0 $0x14D00  }
0x1ff: {  	[tilespmem:s29], [sflag:$0x1] =	stream.indirect_vreg.gather @!p0 [hbm4b:s8+s28], $0x80, v2, vm0, $0xb8;
	[tilespmem:$0x18D00] =	vst v63  }
0x200: {  	s29 =	simm.s32 @!p0 $0x15500  }
0x201: {  	[tilespmem:s29], [sflag:$0x1] =	stream.indirect_vreg.gather @!p0 [hbm4b:s9+s28], $0x80, v2, vm0, $0xb8;
	[tilespmem:$0x18D00] =	vst v63  }
0x202: {  	s29 =	simm.s32 @!p0 $0x15D00  }
0x203: {  	[tilespmem:s29], [sflag:$0x1] =	stream.indirect_vreg.gather @!p0 [hbm4b:s10+s28], $0x80, v2, vm0, $0xb8;
	[tilespmem:$0x18D00] =	vst v63  }
0x204: {  	s29 =	simm.s32 @!p0 $0x16500  }
0x205: {  	[tilespmem:s29], [sflag:$0x1] =	stream.indirect_vreg.gather @!p0 [hbm4b:s11+s28], $0x80, v2, vm0, $0xb8;
	[tilespmem:$0x18D00] =	vst v63  }
0x206: {  	s29 =	simm.s32 @!p0 $0x16D00  }
0x207: {  	[tilespmem:s29], [sflag:$0x1] =	stream.indirect_vreg.gather @!p0 [hbm4b:s12+s28], $0x80, v2, vm0, $0xb8;
	[tilespmem:$0x18D00] =	vst v63  }
0x208: {  	s29 =	simm.s32 @!p0 $0x17500  }
0x209: {  	[tilespmem:s29], [sflag:$0x1] =	stream.indirect_vreg.gather @!p0 [hbm4b:s13+s28], $0x80, v2, vm0, $0xb8;
	[tilespmem:$0x18D00] =	vst v63  }
0x20a: {  	s29 =	simm.s32 @!p0 $0x17D00  }
0x20b: {  	[tilespmem:s29], [sflag:$0x1] =	stream.indirect_vreg.gather @!p0 [hbm4b:s14+s28], $0x80, v2, vm0, $0xb8;
	[tilespmem:$0x18D00] =	vst v63  }
0x20c: {  	s30 =	simm.s32 @!p0 $0x18500;
	s31 =	spop (v2sf)  }
0x20d: {  	[tilespmem:s30], [sflag:$0x1] =	stream.indirect_vreg.gather @!p0 [hbm4b:s15+s28], $0x80, v2, vm0, $0xb8;
	[tilespmem:$0x18D00] =	vst v63  }
0x20e: {  	s30 =	sshrl.u32 s31, $0x3  }
0x20f: {  	s29 =	sshll.u32 s31, $0x7;
	s28 =	smul.u32 $0x24000, s30  }
0x210: {  	s29 =	sand.u32 $0x380, s29;
	s30 =	simm.s32 @!p0 $0x1  }
0x211: {  	_ =	swait.ge @!p0 [sflag:s30], $0x4800;
	s28 =	sor.u32 s29, s28  }
0x212: {  	[sflag:s30] =	ssyncset.done @!p0 $0x0;
	s28 =	sshrl.u32 s28, $0x3  }
0x213: {  	[sflag:s30] =	ssyncadd.s32 @!p0 $0xFFFFB800;
	s28 =	sadd.s32 s3, s28  }
0x214: {  	[hbm4b:s28+s18] =	stream.strided.scatter [tilespmem:s22], [sflag:$0x2], $0x4800, s21, s18, $0x38;
	[tilespmem:$0x18D00] =	vst v63  }
0x215: {  	_ =	swait.ge [sflag:s17], $0x4800  }
0x216: {  	(v2sf) =	vpush v1, $0xE;
	_ =	sdelay $0xe  }
0x217: {  	[sflag:s17] =	ssyncset.done $0x0;
	s28 =	spop (v2sf)  }
0x218: {  	[sflag:s17] =	ssyncadd.s32 $0xFFFFB800;
	p0 =	seq.s32 s28, s26  }
0x219: {  	v2 =	vld.msk @!p0 [tilespmem:s24+$0x300], $0x1;
	_ =	sdelay $0x4  }
0x21a: {  	v3 =	vshrl.u32 @!p0 v2, $0x3  }
0x21b: {  	v3 =	vmul.u32 @!p0 $0x480, v3  }
0x21c: {  	v2 =	vand.u32 @!p0 $0x7, v2  }
0x21d: {  	v4 =	vlaneseq.u32 @!p0;
	v2 =	vor.u32 @!p0 v2, v3;
	v3 =	vimm.s32 @!p0 $0x0  }
0x21e: {  	v2 =	vperm.xlane @!p0 v2, v3;
	v3 =	vmul.u32 @!p0 $0x8, v4;
	_ =	sdelay $0x1  }
0x21f: {  	v2 =	vadd.s32 @!p0 v3, v2;
	_ =	sdelay $0x3  }
0x220: {  	vm0 =	vmmov @!p0 $0xffff;
	s26 =	simm.s32 @!p0 $0x0;
	s29 =	simm.s32 @!p0 $0x14500  }
0x221: {  	(v2sf) =	vpush v63, $0xE;
	[tilespmem:s29], [sflag:$0x1] =	stream.indirect_vreg.gather @!p0 [hbm4b:s2+s26], $0x80, v2, vm0, $0xb8;
	[tilespmem:$0x18D00] =	vst v63  }
0x222: {  	s29 =	simm.s32 @!p0 $0x14D00  }
0x223: {  	[tilespmem:s29], [sflag:$0x1] =	stream.indirect_vreg.gather @!p0 [hbm4b:s8+s26], $0x80, v2, vm0, $0xb8;
	[tilespmem:$0x18D00] =	vst v63  }
0x224: {  	s29 =	simm.s32 @!p0 $0x15500  }
0x225: {  	[tilespmem:s29], [sflag:$0x1] =	stream.indirect_vreg.gather @!p0 [hbm4b:s9+s26], $0x80, v2, vm0, $0xb8;
	[tilespmem:$0x18D00] =	vst v63  }
0x226: {  	s29 =	simm.s32 @!p0 $0x15D00  }
0x227: {  	[tilespmem:s29], [sflag:$0x1] =	stream.indirect_vreg.gather @!p0 [hbm4b:s10+s26], $0x80, v2, vm0, $0xb8;
	[tilespmem:$0x18D00] =	vst v63  }
0x228: {  	s29 =	simm.s32 @!p0 $0x16500  }
0x229: {  	[tilespmem:s29], [sflag:$0x1] =	stream.indirect_vreg.gather @!p0 [hbm4b:s11+s26], $0x80, v2, vm0, $0xb8;
	[tilespmem:$0x18D00] =	vst v63  }
0x22a: {  	s29 =	simm.s32 @!p0 $0x16D00  }
0x22b: {  	[tilespmem:s29], [sflag:$0x1] =	stream.indirect_vreg.gather @!p0 [hbm4b:s12+s26], $0x80, v2, vm0, $0xb8;
	[tilespmem:$0x18D00] =	vst v63  }
0x22c: {  	s29 =	simm.s32 @!p0 $0x17500  }
0x22d: {  	[tilespmem:s29], [sflag:$0x1] =	stream.indirect_vreg.gather @!p0 [hbm4b:s13+s26], $0x80, v2, vm0, $0xb8;
	[tilespmem:$0x18D00] =	vst v63  }
0x22e: {  	s29 =	simm.s32 @!p0 $0x17D00  }
0x22f: {  	[tilespmem:s29], [sflag:$0x1] =	stream.indirect_vreg.gather @!p0 [hbm4b:s14+s26], $0x80, v2, vm0, $0xb8;
	[tilespmem:$0x18D00] =	vst v63  }
0x230: {  	s30 =	simm.s32 @!p0 $0x18500;
	s31 =	spop (v2sf)  }
0x231: {  	[tilespmem:s30], [sflag:$0x1] =	stream.indirect_vreg.gather @!p0 [hbm4b:s15+s26], $0x80, v2, vm0, $0xb8;
	[tilespmem:$0x18D00] =	vst v63  }
0x232: {  	s30 =	sshrl.u32 s31, $0x3  }
0x233: {  	s29 =	sshll.u32 s31, $0x7;
	s26 =	smul.u32 $0x24000, s30  }
0x234: {  	s29 =	sand.u32 $0x380, s29;
	s30 =	simm.s32 @!p0 $0x1  }
0x235: {  	_ =	swait.ge @!p0 [sflag:s30], $0x4800;
	s26 =	sor.u32 s29, s26  }
0x236: {  	[sflag:s30] =	ssyncset.done @!p0 $0x0;
	s26 =	sshrl.u32 s26, $0x3  }
0x237: {  	[sflag:s30] =	ssyncadd.s32 @!p0 $0xFFFFB800;
	s26 =	sadd.s32 s3, s26  }
0x238: {  	[hbm4b:s26+s18] =	stream.strided.scatter [tilespmem:s22], [sflag:$0x2], $0x4800, s21, s18, $0x38;
	[tilespmem:$0x18D00] =	vst v63  }
0x239: {  	_ =	swait.ge [sflag:s17], $0x4800  }
0x23a: {  	(v2sf) =	vpush v1, $0xF;
	_ =	sdelay $0xe  }
0x23b: {  	[sflag:s17] =	ssyncset.done $0x0;
	s26 =	spop (v2sf)  }
0x23c: {  	[sflag:s17] =	ssyncadd.s32 $0xFFFFB800;
	p0 =	seq.s32 s26, s28  }
0x23d: {  	v1 =	vld.msk @!p0 [tilespmem:s24+$0x380], $0x1;
	_ =	sdelay $0x4  }
0x23e: {  	v2 =	vshrl.u32 @!p0 v1, $0x3  }
0x23f: {  	v2 =	vmul.u32 @!p0 $0x480, v2  }
0x240: {  	v1 =	vand.u32 @!p0 $0x7, v1  }
0x241: {  	v3 =	vlaneseq.u32 @!p0;
	v1 =	vor.u32 @!p0 v1, v2;
	v2 =	vimm.s32 @!p0 $0x0  }
0x242: {  	v1 =	vperm.xlane @!p0 v1, v2;
	v2 =	vmul.u32 @!p0 $0x8, v3;
	_ =	sdelay $0x1  }
0x243: {  	v1 =	vadd.s32 @!p0 v2, v1;
	_ =	sdelay $0x3  }
0x244: {  	vm0 =	vmmov @!p0 $0xffff;
	s28 =	simm.s32 @!p0 $0x0;
	s29 =	simm.s32 @!p0 $0x14500  }
0x245: {  	(v2sf) =	vpush v63, $0xF;
	[tilespmem:s29], [sflag:$0x1] =	stream.indirect_vreg.gather @!p0 [hbm4b:s2+s28], $0x80, v1, vm0, $0xb8;
	[tilespmem:$0x18D00] =	vst v63  }
0x246: {  	s29 =	simm.s32 @!p0 $0x14D00  }
0x247: {  	[tilespmem:s29], [sflag:$0x1] =	stream.indirect_vreg.gather @!p0 [hbm4b:s8+s28], $0x80, v1, vm0, $0xb8;
	[tilespmem:$0x18D00] =	vst v63  }
0x248: {  	s29 =	simm.s32 @!p0 $0x15500  }
0x249: {  	[tilespmem:s29], [sflag:$0x1] =	stream.indirect_vreg.gather @!p0 [hbm4b:s9+s28], $0x80, v1, vm0, $0xb8;
	[tilespmem:$0x18D00] =	vst v63  }
0x24a: {  	s29 =	simm.s32 @!p0 $0x15D00  }
0x24b: {  	[tilespmem:s29], [sflag:$0x1] =	stream.indirect_vreg.gather @!p0 [hbm4b:s10+s28], $0x80, v1, vm0, $0xb8;
	[tilespmem:$0x18D00] =	vst v63  }
0x24c: {  	s29 =	simm.s32 @!p0 $0x16500  }
0x24d: {  	[tilespmem:s29], [sflag:$0x1] =	stream.indirect_vreg.gather @!p0 [hbm4b:s11+s28], $0x80, v1, vm0, $0xb8;
	[tilespmem:$0x18D00] =	vst v63  }
0x24e: {  	s29 =	simm.s32 @!p0 $0x16D00  }
0x24f: {  	[tilespmem:s29], [sflag:$0x1] =	stream.indirect_vreg.gather @!p0 [hbm4b:s12+s28], $0x80, v1, vm0, $0xb8;
	[tilespmem:$0x18D00] =	vst v63  }
0x250: {  	s29 =	simm.s32 @!p0 $0x17500  }
0x251: {  	[tilespmem:s29], [sflag:$0x1] =	stream.indirect_vreg.gather @!p0 [hbm4b:s13+s28], $0x80, v1, vm0, $0xb8;
	[tilespmem:$0x18D00] =	vst v63  }
0x252: {  	s29 =	simm.s32 @!p0 $0x17D00  }
0x253: {  	[tilespmem:s29], [sflag:$0x1] =	stream.indirect_vreg.gather @!p0 [hbm4b:s14+s28], $0x80, v1, vm0, $0xb8;
	[tilespmem:$0x18D00] =	vst v63  }
0x254: {  	s29 =	spop (v2sf)  }
0x255: {  	s30 =	simm.s32 @!p0 $0x18500;
	s31 =	sshrl.u32 s29, $0x3  }
0x256: {  	[tilespmem:s30], [sflag:$0x1] =	stream.indirect_vreg.gather @!p0 [hbm4b:s15+s28], $0x80, v1, vm0, $0xb8;
	[tilespmem:$0x18D00] =	vst v63  }
0x257: {  	s29 =	sshll.u32 s29, $0x7;
	s28 =	smul.u32 $0x24000, s31;
	s30 =	simm.s32 @!p0 $0x1  }
0x258: {  	s29 =	sand.u32 $0x380, s29;
	_ =	swait.ge @!p0 [sflag:s30], $0x4800  }
0x259: {  	s25 =	sadd.s32 $0x40, s25;
	s28 =	sor.u32 s29, s28;
	[sflag:s30] =	ssyncset.done @!p0 $0x0  }
0x25a: {  	s28 =	sshrl.u32 s28, $0x3;
	[sflag:s30] =	ssyncadd.s32 @!p0 $0xFFFFB800;
	p0 =	sne.s32 s25, $0xA00  }
.Ltmp0:
0x25b: {  	s28 =	sadd.s32 s3, s28;
	(pc) =	sbr.rel @p0 .LBB2_2-.Ltmp0, $4  }
0x25c: {  	[hbm4b:s28+s18] =	stream.strided.scatter [tilespmem:s22], [sflag:$0x2], $0x4800, s21, s18, $0x38;
	[tilespmem:$0x18D00] =	vst v63  }
0x25d: {  	_ =	swait.ge [sflag:s17], $0x4800  }
0x25e: {  	[sflag:s17] =	ssyncset.done $0x0  }
0x25f: {  	s24 =	sadd.s32 $0x800, s24;
	[sflag:s17] =	ssyncadd.s32 $0xFFFFB800  }
0x260: {  	s23 =	sadd.s32 $0x1, s23  }
0x261: {  	p0 =	sne.s32 s23, s16  }
.Ltmp1:
0x262: {  	_ = 	snop;
	(pc) =	sbr.rel @p0 .LBB2_1-.Ltmp1, $1  }
0x263: {  	_ =	sdelay $0x3  }
0x264: {  	_ =	sfence.sel $0x180000  }
0x265: {  	[bflag:$0x0] =	sbarrier.arrive $0xFFFF  }
0x266: {  	p0 =	sne.s32 s0, $0x0;
	_ =	strace $0x90000047  }
0x267: {  	s0 =	sadd.s32 @!p0 $0x100000, s1;
	[bflag:$0x2] =	sbarrier.arrive $0xFFFF  }
0x268: {  	[sflag:s0] =	ssyncadd.tile.s32 @!p0 $0x1;
	_ =	shalt  }
.Lfunc_end2:
_tile_overlayer_lowered:
.L_overlay_start_2:
0x269: {  	(tag) =	ssettag $0x2  }
0x26a: {  	s0 =	rddreg [dreg:$0x0];
	s2 =	stileid.u32  }
0x26b: {  	s1 =	rddreg [dreg:$0x1];
	p0 =	sne.s32 s2, $0x0  }
0x26c: {  	s3 =	rddreg [dreg:$0x2];
	[bflag:$0x3] =	sbarrier.arrive $0xFFFF;
	s2 =	simm.s32 @!p0 $0x1C02  }
0x26d: {  	[timem:s3], [sflag:s2] =	dma.local @!p0 [hbm:s0], s1  }
0x26e: {  	s0 =	simm.s32 @!p0 $0x2  }
0x26f: {  	_ =	swait.ge @!p0 [sflag:s0], s1  }
0x270: {  	s1 =	ssub.s32 @!p0 $0x0, s1;
	[sflag:s0] =	ssyncset.done @!p0 $0x0  }
0x271: {  	[sflag:s0] =	ssyncadd.s32 @!p0 s1  }
0x272: {  	[bflag:$0x3] =	sbarrier.arrive $0xFFFF  }
0x273: {  	_ =	shalt  }

</sc_bundles>
